<compile_context>
chip_gen: v7x
topology: tpu7x:2x2x1
jax: 0.10.2.dev20260603
libtpu: 0.0.44.dev20260713+nightly
codegen_flags: <defaults>
</compile_context>

<pallas_src>
import functools

import jax
import jax.numpy as jnp
from jax import lax
from jax.experimental import pallas as pl
from jax.experimental.pallas import tpu as pltpu
from jax.experimental.pallas import tpu_sc as plsc

N = 5000
NS = 5120
NP = 6144
R = 48
RB = 40
CH = 8
C = 128
IOU_T = 0.5
SCORE_T = 0.05
W = 32
CHUNK = NS // W
L = 16


def _rank_body(s_ref, rank_ref):
    ii = lax.broadcasted_iota(jnp.int32, (C, C), 0)
    jj = lax.broadcasted_iota(jnp.int32, (C, C), 1)
    diag = (ii == jj).astype(jnp.float32)
    dmat = jj - ii
    ones_col = jnp.ones((C, 1), jnp.float32)

    def to_col(v_row):
        return jnp.sum(jnp.broadcast_to(v_row, (C, C)) * diag, axis=1,
                       keepdims=True)

    def to_row(v_col):
        return jnp.sum(jnp.broadcast_to(v_col, (C, C)) * diag, axis=0,
                       keepdims=True)

    def outer(a, _):
        sa_col = to_col(s_ref[pl.ds(a, 1), :])

        def inner(b4, msum):
            for m in range(4):
                b = b4 * 4 + m
                sb = s_ref[pl.ds(b, 1), :]
                gt = sb > sa_col
                eq = sb == sa_col
                lt = dmat < (a - b) * C
                msum = msum + jnp.where(gt | (eq & lt), 1.0, 0.0)
            return msum

        msum = lax.fori_loop(0, RB // 4, inner,
                             jnp.zeros((C, C), jnp.float32))
        acc = lax.dot_general(msum, ones_col, (((1,), (0,)), ((), ())),
                              preferred_element_type=jnp.float32)
        rank_ref[pl.ds(a, 1), :] = to_row(acc).astype(jnp.int32)
        return 0

    lax.fori_loop(0, RB, outer, 0)


def _ranks(s_sq, interpret=False):
    return pl.pallas_call(
        _rank_body,
        out_shape=jax.ShapeDtypeStruct((RB, C), jnp.int32),
        interpret=interpret,
    )(s_sq)


KJ = 2
B80 = CHUNK // KJ
FD = 128


@functools.cache
def _sc_kernels():
    mesh = plsc.VectorSubcoreMesh(core_axis_name="c", subcore_axis_name="s")

    @functools.partial(
        pl.kernel, mesh=mesh,
        out_type=jax.ShapeDtypeStruct((NS, FD), jnp.float32),
        scratch_types=[pltpu.VMEM((B80,), jnp.int32),
                       pltpu.VMEM((B80,), jnp.int32),
                       pltpu.VMEM((CHUNK, FD), jnp.float32),
                       pltpu.SemaphoreType.DMA],
    )
    def permute_sc(ypad_hbm, rank_hbm, out_hbm, idx0, idx1, chunk_v, sem):
        wid = lax.axis_index("s") * 2 + lax.axis_index("c")
        base = wid * CHUNK
        pltpu.sync_copy(rank_hbm.at[pl.ds(base, B80)], idx0)
        pltpu.sync_copy(rank_hbm.at[pl.ds(base + B80, B80)], idx1)
        pltpu.sync_copy(ypad_hbm.at[pl.ds(base, CHUNK), :], chunk_v)
        cp0 = pltpu.async_copy(chunk_v.at[pl.ds(0, B80), :],
                               out_hbm.at[idx0], sem)
        cp1 = pltpu.async_copy(chunk_v.at[pl.ds(B80, B80), :],
                               out_hbm.at[idx1], sem)
        cp0.wait()
        cp1.wait()

    @functools.partial(
        pl.kernel, mesh=mesh,
        out_type=jax.ShapeDtypeStruct((NS, FD), jnp.float32),
        scratch_types=[pltpu.VMEM((B80,), jnp.int32),
                       pltpu.VMEM((B80,), jnp.int32),
                       pltpu.VMEM((CHUNK, FD), jnp.float32),
                       pltpu.SemaphoreType.DMA],
    )
    def maskgather_sc(keep_hbm, rank_hbm, mask_hbm, idx0, idx1, m_v, sem):
        wid = lax.axis_index("s") * 2 + lax.axis_index("c")
        base = wid * CHUNK
        pltpu.sync_copy(rank_hbm.at[pl.ds(base, B80)], idx0)
        pltpu.sync_copy(rank_hbm.at[pl.ds(base + B80, B80)], idx1)
        cp0 = pltpu.async_copy(keep_hbm.at[idx0],
                               m_v.at[pl.ds(0, B80), :], sem)
        cp1 = pltpu.async_copy(keep_hbm.at[idx1],
                               m_v.at[pl.ds(B80, B80), :], sem)
        cp0.wait()
        cp1.wait()
        pltpu.sync_copy(m_v, mask_hbm.at[pl.ds(base, CHUNK), :])

    return permute_sc, maskgather_sc


def _permute_sc(ypad, rank_flat):
    return _sc_kernels()[0](ypad, rank_flat)


def _maskgather_sc(keep_flat, rank_flat):
    keep_w = jnp.broadcast_to(keep_flat[:, None], (NS, FD))
    return _sc_kernels()[1](keep_w, rank_flat)[:, 0]


def _nms_body(sr_ref, keep_ref, x1_ref, y1_ref, x2_ref, y2_ref, s_ref,
              area_ref):
    ii = lax.broadcasted_iota(jnp.int32, (C, C), 0)
    jj = lax.broadcasted_iota(jnp.int32, (C, C), 1)
    diag = (ii == jj).astype(jnp.float32)
    tri = (ii < jj).astype(jnp.float32)

    def unpack(r, _):
        p0 = r * C
        for f, ref in enumerate((x1_ref, y1_ref, x2_ref, y2_ref, s_ref)):
            col = sr_ref[pl.ds(p0, C), pl.ds(f, 1)]
            ref[pl.ds(r, 1), :] = jnp.sum(
                jnp.broadcast_to(col, (C, C)) * diag, axis=0, keepdims=True)
        return 0
    lax.fori_loop(0, RB, unpack, 0)
    pad = jnp.zeros((R - RB, C), jnp.float32)
    for ref in (x1_ref, y1_ref, x2_ref, y2_ref):
        ref[pl.ds(RB, R - RB), :] = pad
    s_ref[pl.ds(RB, R - RB), :] = pad - 2.0

    area_ref[:] = (jnp.maximum(x2_ref[:] - x1_ref[:], 0.0)
                   * jnp.maximum(y2_ref[:] - y1_ref[:], 0.0))
    keep_ref[:] = (s_ref[:] > SCORE_T).astype(jnp.float32)

    def row_slices(c):
        return (x1_ref[pl.ds(c, 1), :], y1_ref[pl.ds(c, 1), :],
                x2_ref[pl.ds(c, 1), :], y2_ref[pl.ds(c, 1), :],
                area_ref[pl.ds(c, 1), :])

    def to_col(v_row):
        return jnp.sum(jnp.broadcast_to(v_row, (C, C)) * diag, axis=1,
                       keepdims=True)

    def iou_val(cols, rows):
        xb1, yb1, xb2, yb2, ab = cols
        xr1, yr1, xr2, yr2, ar = rows
        xx1 = jnp.maximum(xb1, xr1)
        yy1 = jnp.maximum(yb1, yr1)
        xx2 = jnp.minimum(xb2, xr2)
        yy2 = jnp.minimum(yb2, yr2)
        inter = jnp.maximum(xx2 - xx1, 0.0) * jnp.maximum(yy2 - yy1, 0.0)
        union = ab + ar - inter
        return inter / (union + 1e-9)

    def iou_gt(cols, rows):
        return (iou_val(cols, rows) > IOU_T).astype(jnp.float32)

    def outer(r, _):
        rows_r = row_slices(r)
        cols_r = tuple(to_col(v) for v in rows_r)
        cols_rb = tuple(jnp.broadcast_to(v, (C, C)) for v in cols_r)
        m_intra = iou_gt(cols_rb, rows_r) * tri

        valid = keep_ref[pl.ds(r, 1), :]

        def f_cond(st):
            return st[1]

        def f_body(st):
            kb, _ = st
            supp = lax.dot_general(kb, m_intra, (((1,), (0,)), ((), ())),
                                   preferred_element_type=jnp.float32)
            kb2 = valid * (supp < 0.5).astype(jnp.float32)
            changed = jnp.sum(jnp.abs(kb2 - kb)) > 0.0
            return kb2, changed
        kb, _ = lax.while_loop(f_cond, f_body, (valid, jnp.bool_(True)))
        keep_ref[pl.ds(r, 1), :] = kb

        kbc = to_col(kb)
        colsm = tuple(jnp.broadcast_to(jnp.where(kbc > 0.0, v, 0.0), (C, C))
                      for v in cols_r)

        def inner(k, _):
            c0 = r + 1 + k * CH
            xr8 = x1_ref[pl.ds(c0, CH), :]
            yr8 = y1_ref[pl.ds(c0, CH), :]
            xs8 = x2_ref[pl.ds(c0, CH), :]
            ys8 = y2_ref[pl.ds(c0, CH), :]
            ar8 = area_ref[pl.ds(c0, CH), :]
            supps = []
            for m in range(CH):
                rows = (xr8[m:m + 1, :], yr8[m:m + 1, :], xs8[m:m + 1, :],
                        ys8[m:m + 1, :], ar8[m:m + 1, :])
                iou = iou_val(colsm, rows)
                supps.append(jnp.max(iou, axis=0, keepdims=True))
            supp8 = jnp.concatenate(supps, axis=0)
            keep_ref[pl.ds(c0, CH), :] = (keep_ref[pl.ds(c0, CH), :]
                                          * (supp8 <= IOU_T).astype(jnp.float32))
            return 0

        nchunks = (RB - r - 1 + CH - 1) // CH
        return lax.fori_loop(0, nchunks, inner, 0)

    lax.fori_loop(0, RB, outer, 0)


def _nms_keep_sorted(sorted_rows, interpret=False):
    return pl.pallas_call(
        _nms_body,
        out_shape=jax.ShapeDtypeStruct((R, C), jnp.float32),
        scratch_shapes=[pltpu.VMEM((R, C), jnp.float32) for _ in range(6)],
        interpret=interpret,
    )(sorted_rows)


def kernel(y_pred):
    ypad = jnp.concatenate(
        [y_pred,
         jnp.concatenate([jnp.zeros((NS - N, 4), jnp.float32),
                          jnp.full((NS - N, 1), -2.0, jnp.float32)], axis=1)],
        axis=0)
    s_sq = ypad[:, 4].reshape(RB, C)
    rank = _ranks(s_sq)
    rank_flat = rank.reshape(NS)

    ypad_w = jnp.concatenate(
        [ypad, jnp.zeros((NS, FD - 5), jnp.float32)], axis=1)
    sorted_rows = _permute_sc(ypad_w, rank_flat)
    keep_s = _nms_keep_sorted(sorted_rows)

    keep_flat = keep_s.reshape(R * C)[:NS]
    mask = _maskgather_sc(keep_flat, rank_flat)
    return y_pred * mask[:N, None]

# --- scband reference (transcript-rebuilt; emitter-appended) ---
"""Pipeline reference for scband-post-process-18811956757112 (READ-ONLY COPY).

The authoritative reference and input builder live on the scoring server;
editing this copy changes nothing except your own understanding.
"""

import jax, jax.numpy as jnp
import numpy as np

IOU_THRESHOLD = 0.5
SCORE_THRESHOLD = 0.05
N_BOXES = 5000


def setup_inputs(seed: int = 0) -> dict:
    key = jax.random.key(seed)
    k1, k2, k3 = jax.random.split(key, 3)
    # realistic detection boxes on a 512x512 canvas: centers + sizes -> corners
    centers = jax.random.uniform(k1, (N_BOXES, 2), dtype=jnp.float32) * 512.0
    sizes = jax.random.uniform(k2, (N_BOXES, 2), dtype=jnp.float32) * 96.0 + 8.0
    x1y1 = centers - sizes / 2.0
    x2y2 = centers + sizes / 2.0
    scores = jax.random.uniform(k3, (N_BOXES, 1), dtype=jnp.float32)
    y_pred = jnp.concatenate([x1y1, x2y2, scores], axis=1)  # [N, 5]
    return {"y_pred": y_pred}


def _nms_keep(boxes, scores, iou_threshold, score_threshold):
    n = boxes.shape[0]
    order = jnp.argsort(-scores)
    b = boxes[order]
    s = scores[order]
    x1, y1, x2, y2 = b[:, 0], b[:, 1], b[:, 2], b[:, 3]
    areas = jnp.maximum(x2 - x1, 0.0) * jnp.maximum(y2 - y1, 0.0)
    # pairwise IoU [N, N] -- the O(N^2) compute core
    xx1 = jnp.maximum(x1[:, None], x1[None, :])
    yy1 = jnp.maximum(y1[:, None], y1[None, :])
    xx2 = jnp.minimum(x2[:, None], x2[None, :])
    yy2 = jnp.minimum(y2[:, None], y2[None, :])
    inter = jnp.maximum(xx2 - xx1, 0.0) * jnp.maximum(yy2 - yy1, 0.0)
    union = areas[:, None] + areas[None, :] - inter
    iou = inter / (union + 1e-9)
    suppress_mat = iou > iou_threshold
    valid = s > score_threshold
    idx = jnp.arange(n)

    def body(i, keep):
        sup = suppress_mat[i] & (idx > i) & keep[i]
        return keep & (~sup)

    keep_sorted = jax.lax.fori_loop(0, n, body, valid)
    # scatter back to original box order
    keep = jnp.zeros((n,), dtype=bool).at[order].set(keep_sorted)
    return keep


def reference(y_pred):
    boxes = y_pred[:, 0:4]
    scores = y_pred[:, 4]
    keep = _nms_keep(boxes, scores, IOU_THRESHOLD, SCORE_THRESHOLD)
    mask = keep.astype(y_pred.dtype)
    out_boxes = boxes * mask[:, None]
    out_scores = scores * mask
    return jnp.concatenate([out_boxes, out_scores[:, None]], axis=1)

if __name__ == "__main__":
    import jax
    _d = setup_inputs()
    print(jax.jit(kernel)(*tuple(_d.values())))

</pallas_src>

<mosaic_0001>
#map = affine_map<(d0, d1) -> (0, 0)>
#map1 = affine_map<(d0, d1) -> (0)>
module attributes {stable_mosaic.version = 14 : i64} {
  func.func @maskgather_sc(%arg0: i32, %arg1: i32, %arg2: memref<5120x128xf32, #tpu.memory_space<hbm>>, %arg3: memref<5120xi32, #tpu.memory_space<hbm>>, %arg4: memref<5120x128xf32, #tpu.memory_space<hbm>>, %arg5: memref<80xi32, #tpu.memory_space<vmem>>, %arg6: memref<80xi32, #tpu.memory_space<vmem>>, %arg7: memref<160x128xf32, #tpu.memory_space<vmem>>, %arg8: memref<!tpu.dma_semaphore, #tpu.memory_space<semaphore_mem>>) attributes {dimension_semantics = [#tpu.dimension_semantics<core_parallel>, #tpu.dimension_semantics<subcore_parallel>], iteration_bounds = array<i64: 2, 16>, scalar_prefetch = 0 : i64, scratch_operands = 4 : i64, tpu.core_type = #tpu.core_type<sc_vector_subcore>, window_params = [{transform_indices = #map}, {transform_indices = #map1}, {transform_indices = #map}]} {
    %mul3A = arith.constant 2 : i32
    %mul3A_0 = arith.muli %arg1, %mul3A : i32
    %add3A = arith.addi %mul3A_0, %arg0 : i32
    %mul3A_1 = arith.constant 160 : i32
    %mul3A_2 = arith.muli %add3A, %mul3A_1 : i32
    "tpu.region"() ({
      %run_scoped3A = tpu.sem_alloc : memref<!tpu.dma_semaphore, #tpu.memory_space<semaphore_mem>>
      %dma_start3A_27 = tpu.memref_slice %arg3[%mul3A_2] : memref<5120xi32, #tpu.memory_space<hbm>> -> memref<80xi32, #tpu.memory_space<hbm>>
      %dma_start3A_28 = tpu.memref_slice %arg3[%mul3A_2] : memref<5120xi32, #tpu.memory_space<hbm>> -> memref<80xi32, #tpu.memory_space<hbm>>
      tpu.enqueue_dma source(%dma_start3A_28 : memref<80xi32, #tpu.memory_space<hbm>>) target(%arg5 : memref<80xi32, #tpu.memory_space<vmem>>) target_semaphore(%run_scoped3A : memref<!tpu.dma_semaphore, #tpu.memory_space<semaphore_mem>>)
      %dma_wait3A_29 = tpu.memref_slice %arg3[%mul3A_2] : memref<5120xi32, #tpu.memory_space<hbm>> -> memref<80xi32, #tpu.memory_space<hbm>>
      %dma_wait3A_30 = tpu.memref_slice %arg3[%mul3A_2] : memref<5120xi32, #tpu.memory_space<hbm>> -> memref<80xi32, #tpu.memory_space<hbm>>
      tpu.wait_dma2 semaphore(%run_scoped3A : memref<!tpu.dma_semaphore, #tpu.memory_space<semaphore_mem>>) src(%dma_wait3A_30 : memref<80xi32, #tpu.memory_space<hbm>>) dst(%arg5 : memref<80xi32, #tpu.memory_space<vmem>>)
      tpu.yield
    }) : () -> ()
    %add3A_3 = arith.constant 80 : i32
    %add3A_4 = arith.addi %mul3A_2, %add3A_3 : i32
    "tpu.region"() ({
      %run_scoped3A = tpu.sem_alloc : memref<!tpu.dma_semaphore, #tpu.memory_space<semaphore_mem>>
      %dma_start3A_27 = tpu.memref_slice %arg3[%add3A_4] : memref<5120xi32, #tpu.memory_space<hbm>> -> memref<80xi32, #tpu.memory_space<hbm>>
      %dma_start3A_28 = tpu.memref_slice %arg3[%add3A_4] : memref<5120xi32, #tpu.memory_space<hbm>> -> memref<80xi32, #tpu.memory_space<hbm>>
      tpu.enqueue_dma source(%dma_start3A_28 : memref<80xi32, #tpu.memory_space<hbm>>) target(%arg6 : memref<80xi32, #tpu.memory_space<vmem>>) target_semaphore(%run_scoped3A : memref<!tpu.dma_semaphore, #tpu.memory_space<semaphore_mem>>)
      %dma_wait3A_29 = tpu.memref_slice %arg3[%add3A_4] : memref<5120xi32, #tpu.memory_space<hbm>> -> memref<80xi32, #tpu.memory_space<hbm>>
      %dma_wait3A_30 = tpu.memref_slice %arg3[%add3A_4] : memref<5120xi32, #tpu.memory_space<hbm>> -> memref<80xi32, #tpu.memory_space<hbm>>
      tpu.wait_dma2 semaphore(%run_scoped3A : memref<!tpu.dma_semaphore, #tpu.memory_space<semaphore_mem>>) src(%dma_wait3A_30 : memref<80xi32, #tpu.memory_space<hbm>>) dst(%arg6 : memref<80xi32, #tpu.memory_space<vmem>>)
      tpu.yield
    }) : () -> ()
    %dma_start3A = arith.constant 0 : i32
    %dma_start3A_5 = arith.constant 0 : i32
    %dma_start3A_6 = tpu.memref_slice %arg7[%dma_start3A, %dma_start3A_5] : memref<160x128xf32, #tpu.memory_space<vmem>> -> memref<80x128xf32, #tpu.memory_space<vmem>>
    %dma_start3A_7 = arith.constant 0 : i32
    %dma_start3A_8 = arith.constant 0 : i32
    %dma_start3A_9 = tpu.memref_slice %arg2[%dma_start3A_7, %dma_start3A_8] : memref<5120x128xf32, #tpu.memory_space<hbm>> -> memref<5120x128xf32, #tpu.memory_space<hbm>>
    tpu.enqueue_indirect_dma source(%dma_start3A_9 : memref<5120x128xf32, #tpu.memory_space<hbm>>) target(%dma_start3A_6 : memref<80x128xf32, #tpu.memory_space<vmem>>) offsets(%arg5 : memref<80xi32, #tpu.memory_space<vmem>>) semaphore(%arg8 : memref<!tpu.dma_semaphore, #tpu.memory_space<semaphore_mem>>)
    %dma_start3A_10 = arith.constant 80 : i32
    %dma_start3A_11 = arith.constant 0 : i32
    %dma_start3A_12 = tpu.memref_slice %arg7[%dma_start3A_10, %dma_start3A_11] : memref<160x128xf32, #tpu.memory_space<vmem>> -> memref<80x128xf32, #tpu.memory_space<vmem>>
    %dma_start3A_13 = arith.constant 0 : i32
    %dma_start3A_14 = arith.constant 0 : i32
    %dma_start3A_15 = tpu.memref_slice %arg2[%dma_start3A_13, %dma_start3A_14] : memref<5120x128xf32, #tpu.memory_space<hbm>> -> memref<5120x128xf32, #tpu.memory_space<hbm>>
    tpu.enqueue_indirect_dma source(%dma_start3A_15 : memref<5120x128xf32, #tpu.memory_space<hbm>>) target(%dma_start3A_12 : memref<80x128xf32, #tpu.memory_space<vmem>>) offsets(%arg6 : memref<80xi32, #tpu.memory_space<vmem>>) semaphore(%arg8 : memref<!tpu.dma_semaphore, #tpu.memory_space<semaphore_mem>>)
    %dma_wait3A = arith.constant 0 : i32
    %dma_wait3A_16 = arith.constant 0 : i32
    %dma_wait3A_17 = tpu.memref_slice %arg7[%dma_wait3A, %dma_wait3A_16] : memref<160x128xf32, #tpu.memory_space<vmem>> -> memref<80x128xf32, #tpu.memory_space<vmem>>
    %dma_wait3A_18 = arith.constant 0 : i32
    %dma_wait3A_19 = arith.constant 0 : i32
    %dma_wait3A_20 = tpu.memref_slice %arg2[%dma_wait3A_18, %dma_wait3A_19] : memref<5120x128xf32, #tpu.memory_space<hbm>> -> memref<5120x128xf32, #tpu.memory_space<hbm>>
    tpu.wait_indirect_dma semaphore(%arg8 : memref<!tpu.dma_semaphore, #tpu.memory_space<semaphore_mem>>) src(%dma_wait3A_20 : memref<5120x128xf32, #tpu.memory_space<hbm>>) dst(%dma_wait3A_17 : memref<80x128xf32, #tpu.memory_space<vmem>>)
    %dma_wait3A_21 = arith.constant 80 : i32
    %dma_wait3A_22 = arith.constant 0 : i32
    %dma_wait3A_23 = tpu.memref_slice %arg7[%dma_wait3A_21, %dma_wait3A_22] : memref<160x128xf32, #tpu.memory_space<vmem>> -> memref<80x128xf32, #tpu.memory_space<vmem>>
    %dma_wait3A_24 = arith.constant 0 : i32
    %dma_wait3A_25 = arith.constant 0 : i32
    %dma_wait3A_26 = tpu.memref_slice %arg2[%dma_wait3A_24, %dma_wait3A_25] : memref<5120x128xf32, #tpu.memory_space<hbm>> -> memref<5120x128xf32, #tpu.memory_space<hbm>>
    tpu.wait_indirect_dma semaphore(%arg8 : memref<!tpu.dma_semaphore, #tpu.memory_space<semaphore_mem>>) src(%dma_wait3A_26 : memref<5120x128xf32, #tpu.memory_space<hbm>>) dst(%dma_wait3A_23 : memref<80x128xf32, #tpu.memory_space<vmem>>)
    "tpu.region"() ({
      %run_scoped3A = tpu.sem_alloc : memref<!tpu.dma_semaphore, #tpu.memory_space<semaphore_mem>>
      %dma_start3A_27 = arith.constant 0 : i32
      %dma_start3A_28 = tpu.memref_slice %arg4[%mul3A_2, %dma_start3A_27] : memref<5120x128xf32, #tpu.memory_space<hbm>> -> memref<160x128xf32, #tpu.memory_space<hbm>>
      %dma_start3A_29 = arith.constant 0 : i32
      %dma_start3A_30 = tpu.memref_slice %arg4[%mul3A_2, %dma_start3A_29] : memref<5120x128xf32, #tpu.memory_space<hbm>> -> memref<160x128xf32, #tpu.memory_space<hbm>>
      tpu.enqueue_dma source(%arg7 : memref<160x128xf32, #tpu.memory_space<vmem>>) target(%dma_start3A_30 : memref<160x128xf32, #tpu.memory_space<hbm>>) target_semaphore(%run_scoped3A : memref<!tpu.dma_semaphore, #tpu.memory_space<semaphore_mem>>)
      %dma_wait3A_31 = arith.constant 0 : i32
      %dma_wait3A_32 = tpu.memref_slice %arg4[%mul3A_2, %dma_wait3A_31] : memref<5120x128xf32, #tpu.memory_space<hbm>> -> memref<160x128xf32, #tpu.memory_space<hbm>>
      %dma_wait3A_33 = arith.constant 0 : i32
      %dma_wait3A_34 = tpu.memref_slice %arg4[%mul3A_2, %dma_wait3A_33] : memref<5120x128xf32, #tpu.memory_space<hbm>> -> memref<160x128xf32, #tpu.memory_space<hbm>>
      tpu.wait_dma2 semaphore(%run_scoped3A : memref<!tpu.dma_semaphore, #tpu.memory_space<semaphore_mem>>) src(%arg7 : memref<160x128xf32, #tpu.memory_space<vmem>>) dst(%dma_wait3A_34 : memref<160x128xf32, #tpu.memory_space<hbm>>)
      tpu.yield
    }) : () -> ()
    return
  }
}

#map = affine_map<(d0, d1) -> (0, 0)>
#map1 = affine_map<(d0, d1) -> (0)>
module attributes {stable_mosaic.version = 14 : i64} {
  func.func @permute_sc(%arg0: i32, %arg1: i32, %arg2: memref<5120x128xf32, #tpu.memory_space<hbm>>, %arg3: memref<5120xi32, #tpu.memory_space<hbm>>, %arg4: memref<5120x128xf32, #tpu.memory_space<hbm>>, %arg5: memref<80xi32, #tpu.memory_space<vmem>>, %arg6: memref<80xi32, #tpu.memory_space<vmem>>, %arg7: memref<160x128xf32, #tpu.memory_space<vmem>>, %arg8: memref<!tpu.dma_semaphore, #tpu.memory_space<semaphore_mem>>) attributes {dimension_semantics = [#tpu.dimension_semantics<core_parallel>, #tpu.dimension_semantics<subcore_parallel>], iteration_bounds = array<i64: 2, 16>, scalar_prefetch = 0 : i64, scratch_operands = 4 : i64, tpu.core_type = #tpu.core_type<sc_vector_subcore>, window_params = [{transform_indices = #map}, {transform_indices = #map1}, {transform_indices = #map}]} {
    %mul3A = arith.constant 2 : i32
    %mul3A_0 = arith.muli %arg1, %mul3A : i32
    %add3A = arith.addi %mul3A_0, %arg0 : i32
    %mul3A_1 = arith.constant 160 : i32
    %mul3A_2 = arith.muli %add3A, %mul3A_1 : i32
    "tpu.region"() ({
      %run_scoped3A = tpu.sem_alloc : memref<!tpu.dma_semaphore, #tpu.memory_space<semaphore_mem>>
      %dma_start3A_27 = tpu.memref_slice %arg3[%mul3A_2] : memref<5120xi32, #tpu.memory_space<hbm>> -> memref<80xi32, #tpu.memory_space<hbm>>
      %dma_start3A_28 = tpu.memref_slice %arg3[%mul3A_2] : memref<5120xi32, #tpu.memory_space<hbm>> -> memref<80xi32, #tpu.memory_space<hbm>>
      tpu.enqueue_dma source(%dma_start3A_28 : memref<80xi32, #tpu.memory_space<hbm>>) target(%arg5 : memref<80xi32, #tpu.memory_space<vmem>>) target_semaphore(%run_scoped3A : memref<!tpu.dma_semaphore, #tpu.memory_space<semaphore_mem>>)
      %dma_wait3A_29 = tpu.memref_slice %arg3[%mul3A_2] : memref<5120xi32, #tpu.memory_space<hbm>> -> memref<80xi32, #tpu.memory_space<hbm>>
      %dma_wait3A_30 = tpu.memref_slice %arg3[%mul3A_2] : memref<5120xi32, #tpu.memory_space<hbm>> -> memref<80xi32, #tpu.memory_space<hbm>>
      tpu.wait_dma2 semaphore(%run_scoped3A : memref<!tpu.dma_semaphore, #tpu.memory_space<semaphore_mem>>) src(%dma_wait3A_30 : memref<80xi32, #tpu.memory_space<hbm>>) dst(%arg5 : memref<80xi32, #tpu.memory_space<vmem>>)
      tpu.yield
    }) : () -> ()
    %add3A_3 = arith.constant 80 : i32
    %add3A_4 = arith.addi %mul3A_2, %add3A_3 : i32
    "tpu.region"() ({
      %run_scoped3A = tpu.sem_alloc : memref<!tpu.dma_semaphore, #tpu.memory_space<semaphore_mem>>
      %dma_start3A_27 = tpu.memref_slice %arg3[%add3A_4] : memref<5120xi32, #tpu.memory_space<hbm>> -> memref<80xi32, #tpu.memory_space<hbm>>
      %dma_start3A_28 = tpu.memref_slice %arg3[%add3A_4] : memref<5120xi32, #tpu.memory_space<hbm>> -> memref<80xi32, #tpu.memory_space<hbm>>
      tpu.enqueue_dma source(%dma_start3A_28 : memref<80xi32, #tpu.memory_space<hbm>>) target(%arg6 : memref<80xi32, #tpu.memory_space<vmem>>) target_semaphore(%run_scoped3A : memref<!tpu.dma_semaphore, #tpu.memory_space<semaphore_mem>>)
      %dma_wait3A_29 = tpu.memref_slice %arg3[%add3A_4] : memref<5120xi32, #tpu.memory_space<hbm>> -> memref<80xi32, #tpu.memory_space<hbm>>
      %dma_wait3A_30 = tpu.memref_slice %arg3[%add3A_4] : memref<5120xi32, #tpu.memory_space<hbm>> -> memref<80xi32, #tpu.memory_space<hbm>>
      tpu.wait_dma2 semaphore(%run_scoped3A : memref<!tpu.dma_semaphore, #tpu.memory_space<semaphore_mem>>) src(%dma_wait3A_30 : memref<80xi32, #tpu.memory_space<hbm>>) dst(%arg6 : memref<80xi32, #tpu.memory_space<vmem>>)
      tpu.yield
    }) : () -> ()
    "tpu.region"() ({
      %run_scoped3A = tpu.sem_alloc : memref<!tpu.dma_semaphore, #tpu.memory_space<semaphore_mem>>
      %dma_start3A_27 = arith.constant 0 : i32
      %dma_start3A_28 = tpu.memref_slice %arg2[%mul3A_2, %dma_start3A_27] : memref<5120x128xf32, #tpu.memory_space<hbm>> -> memref<160x128xf32, #tpu.memory_space<hbm>>
      %dma_start3A_29 = arith.constant 0 : i32
      %dma_start3A_30 = tpu.memref_slice %arg2[%mul3A_2, %dma_start3A_29] : memref<5120x128xf32, #tpu.memory_space<hbm>> -> memref<160x128xf32, #tpu.memory_space<hbm>>
      tpu.enqueue_dma source(%dma_start3A_30 : memref<160x128xf32, #tpu.memory_space<hbm>>) target(%arg7 : memref<160x128xf32, #tpu.memory_space<vmem>>) target_semaphore(%run_scoped3A : memref<!tpu.dma_semaphore, #tpu.memory_space<semaphore_mem>>)
      %dma_wait3A_31 = arith.constant 0 : i32
      %dma_wait3A_32 = tpu.memref_slice %arg2[%mul3A_2, %dma_wait3A_31] : memref<5120x128xf32, #tpu.memory_space<hbm>> -> memref<160x128xf32, #tpu.memory_space<hbm>>
      %dma_wait3A_33 = arith.constant 0 : i32
      %dma_wait3A_34 = tpu.memref_slice %arg2[%mul3A_2, %dma_wait3A_33] : memref<5120x128xf32, #tpu.memory_space<hbm>> -> memref<160x128xf32, #tpu.memory_space<hbm>>
      tpu.wait_dma2 semaphore(%run_scoped3A : memref<!tpu.dma_semaphore, #tpu.memory_space<semaphore_mem>>) src(%dma_wait3A_34 : memref<160x128xf32, #tpu.memory_space<hbm>>) dst(%arg7 : memref<160x128xf32, #tpu.memory_space<vmem>>)
      tpu.yield
    }) : () -> ()
    %dma_start3A = arith.constant 0 : i32
    %dma_start3A_5 = arith.constant 0 : i32
    %dma_start3A_6 = tpu.memref_slice %arg7[%dma_start3A, %dma_start3A_5] : memref<160x128xf32, #tpu.memory_space<vmem>> -> memref<80x128xf32, #tpu.memory_space<vmem>>
    %dma_start3A_7 = arith.constant 0 : i32
    %dma_start3A_8 = arith.constant 0 : i32
    %dma_start3A_9 = tpu.memref_slice %arg4[%dma_start3A_7, %dma_start3A_8] : memref<5120x128xf32, #tpu.memory_space<hbm>> -> memref<5120x128xf32, #tpu.memory_space<hbm>>
    tpu.enqueue_indirect_dma source(%dma_start3A_6 : memref<80x128xf32, #tpu.memory_space<vmem>>) target(%dma_start3A_9 : memref<5120x128xf32, #tpu.memory_space<hbm>>) offsets(%arg5 : memref<80xi32, #tpu.memory_space<vmem>>) semaphore(%arg8 : memref<!tpu.dma_semaphore, #tpu.memory_space<semaphore_mem>>)
    %dma_start3A_10 = arith.constant 80 : i32
    %dma_start3A_11 = arith.constant 0 : i32
    %dma_start3A_12 = tpu.memref_slice %arg7[%dma_start3A_10, %dma_start3A_11] : memref<160x128xf32, #tpu.memory_space<vmem>> -> memref<80x128xf32, #tpu.memory_space<vmem>>
    %dma_start3A_13 = arith.constant 0 : i32
    %dma_start3A_14 = arith.constant 0 : i32
    %dma_start3A_15 = tpu.memref_slice %arg4[%dma_start3A_13, %dma_start3A_14] : memref<5120x128xf32, #tpu.memory_space<hbm>> -> memref<5120x128xf32, #tpu.memory_space<hbm>>
    tpu.enqueue_indirect_dma source(%dma_start3A_12 : memref<80x128xf32, #tpu.memory_space<vmem>>) target(%dma_start3A_15 : memref<5120x128xf32, #tpu.memory_space<hbm>>) offsets(%arg6 : memref<80xi32, #tpu.memory_space<vmem>>) semaphore(%arg8 : memref<!tpu.dma_semaphore, #tpu.memory_space<semaphore_mem>>)
    %dma_wait3A = arith.constant 0 : i32
    %dma_wait3A_16 = arith.constant 0 : i32
    %dma_wait3A_17 = tpu.memref_slice %arg7[%dma_wait3A, %dma_wait3A_16] : memref<160x128xf32, #tpu.memory_space<vmem>> -> memref<80x128xf32, #tpu.memory_space<vmem>>
    %dma_wait3A_18 = arith.constant 0 : i32
    %dma_wait3A_19 = arith.constant 0 : i32
    %dma_wait3A_20 = tpu.memref_slice %arg4[%dma_wait3A_18, %dma_wait3A_19] : memref<5120x128xf32, #tpu.memory_space<hbm>> -> memref<5120x128xf32, #tpu.memory_space<hbm>>
    tpu.wait_indirect_dma semaphore(%arg8 : memref<!tpu.dma_semaphore, #tpu.memory_space<semaphore_mem>>) src(%dma_wait3A_17 : memref<80x128xf32, #tpu.memory_space<vmem>>) dst(%dma_wait3A_20 : memref<5120x128xf32, #tpu.memory_space<hbm>>)
    %dma_wait3A_21 = arith.constant 80 : i32
    %dma_wait3A_22 = arith.constant 0 : i32
    %dma_wait3A_23 = tpu.memref_slice %arg7[%dma_wait3A_21, %dma_wait3A_22] : memref<160x128xf32, #tpu.memory_space<vmem>> -> memref<80x128xf32, #tpu.memory_space<vmem>>
    %dma_wait3A_24 = arith.constant 0 : i32
    %dma_wait3A_25 = arith.constant 0 : i32
    %dma_wait3A_26 = tpu.memref_slice %arg4[%dma_wait3A_24, %dma_wait3A_25] : memref<5120x128xf32, #tpu.memory_space<hbm>> -> memref<5120x128xf32, #tpu.memory_space<hbm>>
    tpu.wait_indirect_dma semaphore(%arg8 : memref<!tpu.dma_semaphore, #tpu.memory_space<semaphore_mem>>) src(%dma_wait3A_23 : memref<80x128xf32, #tpu.memory_space<vmem>>) dst(%dma_wait3A_26 : memref<5120x128xf32, #tpu.memory_space<hbm>>)
    return
  }
}

module attributes {stable_mosaic.version = 14 : i64} {
  func.func @_rank_body(%arg0: memref<40x128xf32, #tpu.memory_space<vmem>>, %arg1: memref<40x128xi32, #tpu.memory_space<vmem>>) attributes {dimension_semantics = [], scalar_prefetch = 0 : i64, scratch_operands = 0 : i64, tpu.core_type = #tpu.core_type<tc>} {
    %iota3A = tpu.iota {dimensions = array<i32: 0>} : vector<128x128xi32>
    %iota3A_0 = tpu.iota {dimensions = array<i32: 1>} : vector<128x128xi32>
    %eq3A = arith.cmpi eq, %iota3A, %iota3A_0 : vector<128x128xi32>
    %convert_element_type3A = arith.extui %eq3A : vector<128x128xi1> to vector<128x128xi32>
    %convert_element_type3A_1 = arith.sitofp %convert_element_type3A : vector<128x128xi32> to vector<128x128xf32>
    %sub3A = arith.subi %iota3A_0, %iota3A : vector<128x128xi32>
    %broadcast_in_dim3A = arith.constant 1.000000e+00 : f32
    %broadcast_in_dim3A_2 = vector.broadcast %broadcast_in_dim3A : f32 to vector<128x1xf32>
    %scan3A = arith.constant 0 : i32
    %scan3A_3 = arith.constant 40 : i32
    %scan3A_4 = arith.addi %scan3A, %scan3A_3 : i32
    %scan3A_5 = arith.constant 1 : i32
    scf.for %scan3A_7 = %scan3A to %scan3A_4 step %scan3A_5  : i32 {
      %get3A = arith.index_cast %scan3A_7 : i32 to index
      %get3A_8 = arith.constant 0 : index
      %get3A_9 = vector.load %arg0[%get3A, %get3A_8] : memref<40x128xf32, #tpu.memory_space<vmem>>, vector<1x128xf32>
      %broadcast_in_dim3A_10 = vector.shape_cast %get3A_9 : vector<1x128xf32> to vector<1x128xf32>
      %broadcast_in_dim3A_11 = vector.broadcast %broadcast_in_dim3A_10 : vector<1x128xf32> to vector<128x128xf32>
      %mul3A = arith.mulf %broadcast_in_dim3A_11, %convert_element_type3A_1 : vector<128x128xf32>
      %reduce_sum3A = arith.constant dense<0.000000e+00> : vector<128xf32>
      %reduce_sum3A_12 = vector.multi_reduction <add>, %mul3A, %reduce_sum3A [1] : vector<128x128xf32> to vector<128xf32>
      %broadcast_in_dim3A_13 = vector.shape_cast %reduce_sum3A_12 : vector<128xf32> to vector<128x1xf32>
      %broadcast_in_dim3A_14 = arith.constant 0.000000e+00 : f32
      %broadcast_in_dim3A_15 = vector.broadcast %broadcast_in_dim3A_14 : f32 to vector<128x128xf32>
      %scan3A_16 = arith.constant 0 : i32
      %scan3A_17 = arith.constant 10 : i32
      %scan3A_18 = arith.addi %scan3A_16, %scan3A_17 : i32
      %scan3A_19 = arith.constant 1 : i32
      %scan3A_20 = scf.for %scan3A_32 = %scan3A_16 to %scan3A_18 step %scan3A_19 iter_args(%scan3A_33 = %broadcast_in_dim3A_15) -> (vector<128x128xf32>)  : i32 {
        %mul3A_34 = arith.constant 4 : i32
        %mul3A_35 = arith.muli %scan3A_32, %mul3A_34 : i32
        %add3A = arith.constant 0 : i32
        %add3A_36 = arith.addi %mul3A_35, %add3A : i32
        %get3A_37 = arith.index_cast %add3A_36 : i32 to index
        %get3A_38 = arith.constant 0 : index
        %get3A_39 = vector.load %arg0[%get3A_37, %get3A_38] : memref<40x128xf32, #tpu.memory_space<vmem>>, vector<1x128xf32>
        %gt3A = vector.broadcast %get3A_39 : vector<1x128xf32> to vector<128x128xf32>
        %gt3A_40 = vector.broadcast %broadcast_in_dim3A_13 : vector<128x1xf32> to vector<128x128xf32>
        %gt3A_41 = arith.cmpf ogt, %gt3A, %gt3A_40 : vector<128x128xf32>
        %eq3A_42 = vector.broadcast %get3A_39 : vector<1x128xf32> to vector<128x128xf32>
        %eq3A_43 = vector.broadcast %broadcast_in_dim3A_13 : vector<128x1xf32> to vector<128x128xf32>
        %eq3A_44 = arith.cmpf oeq, %eq3A_42, %eq3A_43 : vector<128x128xf32>
        %sub3A_45 = arith.subi %scan3A_7, %add3A_36 : i32
        %mul3A_46 = arith.constant 128 : i32
        %mul3A_47 = arith.muli %sub3A_45, %mul3A_46 : i32
        %lt3A = vector.broadcast %mul3A_47 : i32 to vector<128x128xi32>
        %lt3A_48 = arith.cmpi slt, %sub3A, %lt3A : vector<128x128xi32>
        %and3A = arith.andi %eq3A_44, %lt3A_48 : vector<128x128xi1>
        %or3A = arith.ori %gt3A_41, %and3A : vector<128x128xi1>
        %jit3A = arith.constant 1.000000e+00 : f32
        %jit3A_49 = arith.constant 0.000000e+00 : f32
        %broadcast_in_dim3A_50 = vector.broadcast %jit3A : f32 to vector<128x128xf32>
        %broadcast_in_dim3A_51 = vector.broadcast %jit3A_49 : f32 to vector<128x128xf32>
        %select_n3A = arith.select %or3A, %broadcast_in_dim3A_50, %broadcast_in_dim3A_51 : vector<128x128xi1>, vector<128x128xf32>
        %add3A_52 = arith.addf %scan3A_33, %select_n3A : vector<128x128xf32>
        %mul3A_53 = arith.constant 4 : i32
        %mul3A_54 = arith.muli %scan3A_32, %mul3A_53 : i32
        %add3A_55 = arith.constant 1 : i32
        %add3A_56 = arith.addi %mul3A_54, %add3A_55 : i32
        %get3A_57 = arith.index_cast %add3A_56 : i32 to index
        %get3A_58 = arith.constant 0 : index
        %get3A_59 = vector.load %arg0[%get3A_57, %get3A_58] : memref<40x128xf32, #tpu.memory_space<vmem>>, vector<1x128xf32>
        %gt3A_60 = vector.broadcast %get3A_59 : vector<1x128xf32> to vector<128x128xf32>
        %gt3A_61 = vector.broadcast %broadcast_in_dim3A_13 : vector<128x1xf32> to vector<128x128xf32>
        %gt3A_62 = arith.cmpf ogt, %gt3A_60, %gt3A_61 : vector<128x128xf32>
        %eq3A_63 = vector.broadcast %get3A_59 : vector<1x128xf32> to vector<128x128xf32>
        %eq3A_64 = vector.broadcast %broadcast_in_dim3A_13 : vector<128x1xf32> to vector<128x128xf32>
        %eq3A_65 = arith.cmpf oeq, %eq3A_63, %eq3A_64 : vector<128x128xf32>
        %sub3A_66 = arith.subi %scan3A_7, %add3A_56 : i32
        %mul3A_67 = arith.constant 128 : i32
        %mul3A_68 = arith.muli %sub3A_66, %mul3A_67 : i32
        %lt3A_69 = vector.broadcast %mul3A_68 : i32 to vector<128x128xi32>
        %lt3A_70 = arith.cmpi slt, %sub3A, %lt3A_69 : vector<128x128xi32>
        %and3A_71 = arith.andi %eq3A_65, %lt3A_70 : vector<128x128xi1>
        %or3A_72 = arith.ori %gt3A_62, %and3A_71 : vector<128x128xi1>
        %jit3A_73 = arith.constant 1.000000e+00 : f32
        %jit3A_74 = arith.constant 0.000000e+00 : f32
        %broadcast_in_dim3A_75 = vector.broadcast %jit3A_73 : f32 to vector<128x128xf32>
        %broadcast_in_dim3A_76 = vector.broadcast %jit3A_74 : f32 to vector<128x128xf32>
        %select_n3A_77 = arith.select %or3A_72, %broadcast_in_dim3A_75, %broadcast_in_dim3A_76 : vector<128x128xi1>, vector<128x128xf32>
        %add3A_78 = arith.addf %add3A_52, %select_n3A_77 : vector<128x128xf32>
        %mul3A_79 = arith.constant 4 : i32
        %mul3A_80 = arith.muli %scan3A_32, %mul3A_79 : i32
        %add3A_81 = arith.constant 2 : i32
        %add3A_82 = arith.addi %mul3A_80, %add3A_81 : i32
        %get3A_83 = arith.index_cast %add3A_82 : i32 to index
        %get3A_84 = arith.constant 0 : index
        %get3A_85 = vector.load %arg0[%get3A_83, %get3A_84] : memref<40x128xf32, #tpu.memory_space<vmem>>, vector<1x128xf32>
        %gt3A_86 = vector.broadcast %get3A_85 : vector<1x128xf32> to vector<128x128xf32>
        %gt3A_87 = vector.broadcast %broadcast_in_dim3A_13 : vector<128x1xf32> to vector<128x128xf32>
        %gt3A_88 = arith.cmpf ogt, %gt3A_86, %gt3A_87 : vector<128x128xf32>
        %eq3A_89 = vector.broadcast %get3A_85 : vector<1x128xf32> to vector<128x128xf32>
        %eq3A_90 = vector.broadcast %broadcast_in_dim3A_13 : vector<128x1xf32> to vector<128x128xf32>
        %eq3A_91 = arith.cmpf oeq, %eq3A_89, %eq3A_90 : vector<128x128xf32>
        %sub3A_92 = arith.subi %scan3A_7, %add3A_82 : i32
        %mul3A_93 = arith.constant 128 : i32
        %mul3A_94 = arith.muli %sub3A_92, %mul3A_93 : i32
        %lt3A_95 = vector.broadcast %mul3A_94 : i32 to vector<128x128xi32>
        %lt3A_96 = arith.cmpi slt, %sub3A, %lt3A_95 : vector<128x128xi32>
        %and3A_97 = arith.andi %eq3A_91, %lt3A_96 : vector<128x128xi1>
        %or3A_98 = arith.ori %gt3A_88, %and3A_97 : vector<128x128xi1>
        %jit3A_99 = arith.constant 1.000000e+00 : f32
        %jit3A_100 = arith.constant 0.000000e+00 : f32
        %broadcast_in_dim3A_101 = vector.broadcast %jit3A_99 : f32 to vector<128x128xf32>
        %broadcast_in_dim3A_102 = vector.broadcast %jit3A_100 : f32 to vector<128x128xf32>
        %select_n3A_103 = arith.select %or3A_98, %broadcast_in_dim3A_101, %broadcast_in_dim3A_102 : vector<128x128xi1>, vector<128x128xf32>
        %add3A_104 = arith.addf %add3A_78, %select_n3A_103 : vector<128x128xf32>
        %mul3A_105 = arith.constant 4 : i32
        %mul3A_106 = arith.muli %scan3A_32, %mul3A_105 : i32
        %add3A_107 = arith.constant 3 : i32
        %add3A_108 = arith.addi %mul3A_106, %add3A_107 : i32
        %get3A_109 = arith.index_cast %add3A_108 : i32 to index
        %get3A_110 = arith.constant 0 : index
        %get3A_111 = vector.load %arg0[%get3A_109, %get3A_110] : memref<40x128xf32, #tpu.memory_space<vmem>>, vector<1x128xf32>
        %gt3A_112 = vector.broadcast %get3A_111 : vector<1x128xf32> to vector<128x128xf32>
        %gt3A_113 = vector.broadcast %broadcast_in_dim3A_13 : vector<128x1xf32> to vector<128x128xf32>
        %gt3A_114 = arith.cmpf ogt, %gt3A_112, %gt3A_113 : vector<128x128xf32>
        %eq3A_115 = vector.broadcast %get3A_111 : vector<1x128xf32> to vector<128x128xf32>
        %eq3A_116 = vector.broadcast %broadcast_in_dim3A_13 : vector<128x1xf32> to vector<128x128xf32>
        %eq3A_117 = arith.cmpf oeq, %eq3A_115, %eq3A_116 : vector<128x128xf32>
        %sub3A_118 = arith.subi %scan3A_7, %add3A_108 : i32
        %mul3A_119 = arith.constant 128 : i32
        %mul3A_120 = arith.muli %sub3A_118, %mul3A_119 : i32
        %lt3A_121 = vector.broadcast %mul3A_120 : i32 to vector<128x128xi32>
        %lt3A_122 = arith.cmpi slt, %sub3A, %lt3A_121 : vector<128x128xi32>
        %and3A_123 = arith.andi %eq3A_117, %lt3A_122 : vector<128x128xi1>
        %or3A_124 = arith.ori %gt3A_114, %and3A_123 : vector<128x128xi1>
        %jit3A_125 = arith.constant 1.000000e+00 : f32
        %jit3A_126 = arith.constant 0.000000e+00 : f32
        %broadcast_in_dim3A_127 = vector.broadcast %jit3A_125 : f32 to vector<128x128xf32>
        %broadcast_in_dim3A_128 = vector.broadcast %jit3A_126 : f32 to vector<128x128xf32>
        %select_n3A_129 = arith.select %or3A_124, %broadcast_in_dim3A_127, %broadcast_in_dim3A_128 : vector<128x128xi1>, vector<128x128xf32>
        %add3A_130 = arith.addf %add3A_104, %select_n3A_129 : vector<128x128xf32>
        scf.yield %add3A_130 : vector<128x128xf32>
      }
      %scan3A_21 = arith.constant 10 : i32
      %dot_general3A = arith.constant dense<0.000000e+00> : vector<128x1xf32>
      %dot_general3A_22 = tpu.matmul %scan3A_20, %broadcast_in_dim3A_2, %dot_general3A {dimension_numbers = #tpu.dot_dimension_numbers<[1], [0], [0], [1], [0, 0, 1, 1], [], []>, transpose_lhs_hint = false} : vector<128x128xf32>, vector<128x1xf32>, vector<128x1xf32> -> vector<128x1xf32>
      %broadcast_in_dim3A_23 = vector.shape_cast %dot_general3A_22 : vector<128x1xf32> to vector<128x1xf32>
      %broadcast_in_dim3A_24 = vector.broadcast %broadcast_in_dim3A_23 : vector<128x1xf32> to vector<128x128xf32>
      %mul3A_25 = arith.mulf %broadcast_in_dim3A_24, %convert_element_type3A_1 : vector<128x128xf32>
      %reduce_sum3A_26 = arith.constant dense<0.000000e+00> : vector<128xf32>
      %reduce_sum3A_27 = vector.multi_reduction <add>, %mul3A_25, %reduce_sum3A_26 [0] : vector<128x128xf32> to vector<128xf32>
      %broadcast_in_dim3A_28 = vector.shape_cast %reduce_sum3A_27 : vector<128xf32> to vector<1x128xf32>
      %convert_element_type3A_29 = arith.fptosi %broadcast_in_dim3A_28 : vector<1x128xf32> to vector<1x128xi32>
      %swap3A = arith.index_cast %scan3A_7 : i32 to index
      %swap3A_30 = arith.constant 0 : index
      %swap3A_31 = vector.load %arg1[%swap3A, %swap3A_30] : memref<40x128xi32, #tpu.memory_space<vmem>>, vector<1x128xi32>
      tpu.vector_store %arg1[%swap3A, %swap3A_30], %convert_element_type3A_29 {strides = array<i32>} : memref<40x128xi32, #tpu.memory_space<vmem>>, vector<1x128xi32>,
    }
    %scan3A_6 = arith.constant 40 : i32
    return
  }
}

module attributes {stable_mosaic.version = 14 : i64} {
  func.func @_nms_body(%arg0: memref<5120x128xf32, #tpu.memory_space<vmem>>, %arg1: memref<48x128xf32, #tpu.memory_space<vmem>>, %arg2: memref<48x128xf32, #tpu.memory_space<vmem>>, %arg3: memref<48x128xf32, #tpu.memory_space<vmem>>, %arg4: memref<48x128xf32, #tpu.memory_space<vmem>>, %arg5: memref<48x128xf32, #tpu.memory_space<vmem>>, %arg6: memref<48x128xf32, #tpu.memory_space<vmem>>, %arg7: memref<48x128xf32, #tpu.memory_space<vmem>>) attributes {dimension_semantics = [], scalar_prefetch = 0 : i64, scratch_operands = 6 : i64, tpu.core_type = #tpu.core_type<tc>} {
    %iota3A = tpu.iota {dimensions = array<i32: 0>} : vector<128x128xi32>
    %iota3A_0 = tpu.iota {dimensions = array<i32: 1>} : vector<128x128xi32>
    %eq3A = arith.cmpi eq, %iota3A, %iota3A_0 : vector<128x128xi32>
    %convert_element_type3A = arith.extui %eq3A : vector<128x128xi1> to vector<128x128xi32>
    %convert_element_type3A_1 = arith.sitofp %convert_element_type3A : vector<128x128xi32> to vector<128x128xf32>
    %lt3A = arith.cmpi slt, %iota3A, %iota3A_0 : vector<128x128xi32>
    %convert_element_type3A_2 = arith.extui %lt3A : vector<128x128xi1> to vector<128x128xi32>
    %convert_element_type3A_3 = arith.sitofp %convert_element_type3A_2 : vector<128x128xi32> to vector<128x128xf32>
    %scan3A = arith.constant 0 : i32
    %scan3A_4 = arith.constant 40 : i32
    %scan3A_5 = arith.addi %scan3A, %scan3A_4 : i32
    %scan3A_6 = arith.constant 1 : i32
    scf.for %scan3A_61 = %scan3A to %scan3A_5 step %scan3A_6  : i32 {
      %mul3A_62 = arith.constant 128 : i32
      %mul3A_63 = arith.muli %scan3A_61, %mul3A_62 : i32
      %get3A_64 = arith.index_cast %mul3A_63 : i32 to index
      %get3A_65 = arith.constant 0 : index
      %get3A_66 = vector.load %arg0[%get3A_64, %get3A_65] : memref<5120x128xf32, #tpu.memory_space<vmem>>, vector<128x1xf32>
      %broadcast_in_dim3A_67 = vector.shape_cast %get3A_66 : vector<128x1xf32> to vector<128x1xf32>
      %broadcast_in_dim3A_68 = vector.broadcast %broadcast_in_dim3A_67 : vector<128x1xf32> to vector<128x128xf32>
      %mul3A_69 = arith.mulf %broadcast_in_dim3A_68, %convert_element_type3A_1 : vector<128x128xf32>
      %reduce_sum3A = arith.constant dense<0.000000e+00> : vector<128xf32>
      %reduce_sum3A_70 = vector.multi_reduction <add>, %mul3A_69, %reduce_sum3A [0] : vector<128x128xf32> to vector<128xf32>
      %broadcast_in_dim3A_71 = vector.shape_cast %reduce_sum3A_70 : vector<128xf32> to vector<1x128xf32>
      %swap3A_72 = arith.index_cast %scan3A_61 : i32 to index
      %swap3A_73 = arith.constant 0 : index
      %swap3A_74 = vector.load %arg2[%swap3A_72, %swap3A_73] : memref<48x128xf32, #tpu.memory_space<vmem>>, vector<1x128xf32>
      tpu.vector_store %arg2[%swap3A_72, %swap3A_73], %broadcast_in_dim3A_71 {strides = array<i32>} : memref<48x128xf32, #tpu.memory_space<vmem>>, vector<1x128xf32>,
      %get3A_75 = arith.index_cast %mul3A_63 : i32 to index
      %get3A_76 = arith.constant 1 : index
      %get3A_77 = vector.load %arg0[%get3A_75, %get3A_76] : memref<5120x128xf32, #tpu.memory_space<vmem>>, vector<128x1xf32>
      %broadcast_in_dim3A_78 = vector.shape_cast %get3A_77 : vector<128x1xf32> to vector<128x1xf32>
      %broadcast_in_dim3A_79 = vector.broadcast %broadcast_in_dim3A_78 : vector<128x1xf32> to vector<128x128xf32>
      %mul3A_80 = arith.mulf %broadcast_in_dim3A_79, %convert_element_type3A_1 : vector<128x128xf32>
      %reduce_sum3A_81 = arith.constant dense<0.000000e+00> : vector<128xf32>
      %reduce_sum3A_82 = vector.multi_reduction <add>, %mul3A_80, %reduce_sum3A_81 [0] : vector<128x128xf32> to vector<128xf32>
      %broadcast_in_dim3A_83 = vector.shape_cast %reduce_sum3A_82 : vector<128xf32> to vector<1x128xf32>
      %swap3A_84 = arith.index_cast %scan3A_61 : i32 to index
      %swap3A_85 = arith.constant 0 : index
      %swap3A_86 = vector.load %arg3[%swap3A_84, %swap3A_85] : memref<48x128xf32, #tpu.memory_space<vmem>>, vector<1x128xf32>
      tpu.vector_store %arg3[%swap3A_84, %swap3A_85], %broadcast_in_dim3A_83 {strides = array<i32>} : memref<48x128xf32, #tpu.memory_space<vmem>>, vector<1x128xf32>,
      %get3A_87 = arith.index_cast %mul3A_63 : i32 to index
      %get3A_88 = arith.constant 2 : index
      %get3A_89 = vector.load %arg0[%get3A_87, %get3A_88] : memref<5120x128xf32, #tpu.memory_space<vmem>>, vector<128x1xf32>
      %broadcast_in_dim3A_90 = vector.shape_cast %get3A_89 : vector<128x1xf32> to vector<128x1xf32>
      %broadcast_in_dim3A_91 = vector.broadcast %broadcast_in_dim3A_90 : vector<128x1xf32> to vector<128x128xf32>
      %mul3A_92 = arith.mulf %broadcast_in_dim3A_91, %convert_element_type3A_1 : vector<128x128xf32>
      %reduce_sum3A_93 = arith.constant dense<0.000000e+00> : vector<128xf32>
      %reduce_sum3A_94 = vector.multi_reduction <add>, %mul3A_92, %reduce_sum3A_93 [0] : vector<128x128xf32> to vector<128xf32>
      %broadcast_in_dim3A_95 = vector.shape_cast %reduce_sum3A_94 : vector<128xf32> to vector<1x128xf32>
      %swap3A_96 = arith.index_cast %scan3A_61 : i32 to index
      %swap3A_97 = arith.constant 0 : index
      %swap3A_98 = vector.load %arg4[%swap3A_96, %swap3A_97] : memref<48x128xf32, #tpu.memory_space<vmem>>, vector<1x128xf32>
      tpu.vector_store %arg4[%swap3A_96, %swap3A_97], %broadcast_in_dim3A_95 {strides = array<i32>} : memref<48x128xf32, #tpu.memory_space<vmem>>, vector<1x128xf32>,
      %get3A_99 = arith.index_cast %mul3A_63 : i32 to index
      %get3A_100 = arith.constant 3 : index
      %get3A_101 = vector.load %arg0[%get3A_99, %get3A_100] : memref<5120x128xf32, #tpu.memory_space<vmem>>, vector<128x1xf32>
      %broadcast_in_dim3A_102 = vector.shape_cast %get3A_101 : vector<128x1xf32> to vector<128x1xf32>
      %broadcast_in_dim3A_103 = vector.broadcast %broadcast_in_dim3A_102 : vector<128x1xf32> to vector<128x128xf32>
      %mul3A_104 = arith.mulf %broadcast_in_dim3A_103, %convert_element_type3A_1 : vector<128x128xf32>
      %reduce_sum3A_105 = arith.constant dense<0.000000e+00> : vector<128xf32>
      %reduce_sum3A_106 = vector.multi_reduction <add>, %mul3A_104, %reduce_sum3A_105 [0] : vector<128x128xf32> to vector<128xf32>
      %broadcast_in_dim3A_107 = vector.shape_cast %reduce_sum3A_106 : vector<128xf32> to vector<1x128xf32>
      %swap3A_108 = arith.index_cast %scan3A_61 : i32 to index
      %swap3A_109 = arith.constant 0 : index
      %swap3A_110 = vector.load %arg5[%swap3A_108, %swap3A_109] : memref<48x128xf32, #tpu.memory_space<vmem>>, vector<1x128xf32>
      tpu.vector_store %arg5[%swap3A_108, %swap3A_109], %broadcast_in_dim3A_107 {strides = array<i32>} : memref<48x128xf32, #tpu.memory_space<vmem>>, vector<1x128xf32>,
      %get3A_111 = arith.index_cast %mul3A_63 : i32 to index
      %get3A_112 = arith.constant 4 : index
      %get3A_113 = vector.load %arg0[%get3A_111, %get3A_112] : memref<5120x128xf32, #tpu.memory_space<vmem>>, vector<128x1xf32>
      %broadcast_in_dim3A_114 = vector.shape_cast %get3A_113 : vector<128x1xf32> to vector<128x1xf32>
      %broadcast_in_dim3A_115 = vector.broadcast %broadcast_in_dim3A_114 : vector<128x1xf32> to vector<128x128xf32>
      %mul3A_116 = arith.mulf %broadcast_in_dim3A_115, %convert_element_type3A_1 : vector<128x128xf32>
      %reduce_sum3A_117 = arith.constant dense<0.000000e+00> : vector<128xf32>
      %reduce_sum3A_118 = vector.multi_reduction <add>, %mul3A_116, %reduce_sum3A_117 [0] : vector<128x128xf32> to vector<128xf32>
      %broadcast_in_dim3A_119 = vector.shape_cast %reduce_sum3A_118 : vector<128xf32> to vector<1x128xf32>
      %swap3A_120 = arith.index_cast %scan3A_61 : i32 to index
      %swap3A_121 = arith.constant 0 : index
      %swap3A_122 = vector.load %arg6[%swap3A_120, %swap3A_121] : memref<48x128xf32, #tpu.memory_space<vmem>>, vector<1x128xf32>
      tpu.vector_store %arg6[%swap3A_120, %swap3A_121], %broadcast_in_dim3A_119 {strides = array<i32>} : memref<48x128xf32, #tpu.memory_space<vmem>>, vector<1x128xf32>,
    }
    %scan3A_7 = arith.constant 40 : i32
    %broadcast_in_dim3A = arith.constant 0.000000e+00 : f32
    %broadcast_in_dim3A_8 = vector.broadcast %broadcast_in_dim3A : f32 to vector<8x128xf32>
    %swap3A = arith.constant 40 : index
    %swap3A_9 = arith.constant 0 : index
    %swap3A_10 = vector.load %arg2[%swap3A, %swap3A_9] : memref<48x128xf32, #tpu.memory_space<vmem>>, vector<8x128xf32>
    tpu.vector_store %arg2[%swap3A, %swap3A_9], %broadcast_in_dim3A_8 {strides = array<i32>} : memref<48x128xf32, #tpu.memory_space<vmem>>, vector<8x128xf32>,
    %swap3A_11 = arith.constant 40 : index
    %swap3A_12 = arith.constant 0 : index
    %swap3A_13 = vector.load %arg3[%swap3A_11, %swap3A_12] : memref<48x128xf32, #tpu.memory_space<vmem>>, vector<8x128xf32>
    tpu.vector_store %arg3[%swap3A_11, %swap3A_12], %broadcast_in_dim3A_8 {strides = array<i32>} : memref<48x128xf32, #tpu.memory_space<vmem>>, vector<8x128xf32>,
    %swap3A_14 = arith.constant 40 : index
    %swap3A_15 = arith.constant 0 : index
    %swap3A_16 = vector.load %arg4[%swap3A_14, %swap3A_15] : memref<48x128xf32, #tpu.memory_space<vmem>>, vector<8x128xf32>
    tpu.vector_store %arg4[%swap3A_14, %swap3A_15], %broadcast_in_dim3A_8 {strides = array<i32>} : memref<48x128xf32, #tpu.memory_space<vmem>>, vector<8x128xf32>,
    %swap3A_17 = arith.constant 40 : index
    %swap3A_18 = arith.constant 0 : index
    %swap3A_19 = vector.load %arg5[%swap3A_17, %swap3A_18] : memref<48x128xf32, #tpu.memory_space<vmem>>, vector<8x128xf32>
    tpu.vector_store %arg5[%swap3A_17, %swap3A_18], %broadcast_in_dim3A_8 {strides = array<i32>} : memref<48x128xf32, #tpu.memory_space<vmem>>, vector<8x128xf32>,
    %sub3A = arith.constant 2.000000e+00 : f32
    %sub3A_20 = vector.broadcast %sub3A : f32 to vector<8x128xf32>
    %sub3A_21 = arith.subf %broadcast_in_dim3A_8, %sub3A_20 : vector<8x128xf32>
    %swap3A_22 = arith.constant 40 : index
    %swap3A_23 = arith.constant 0 : index
    %swap3A_24 = vector.load %arg6[%swap3A_22, %swap3A_23] : memref<48x128xf32, #tpu.memory_space<vmem>>, vector<8x128xf32>
    tpu.vector_store %arg6[%swap3A_22, %swap3A_23], %sub3A_21 {strides = array<i32>} : memref<48x128xf32, #tpu.memory_space<vmem>>, vector<8x128xf32>,
    %get3A = arith.constant 0 : index
    %get3A_25 = arith.constant 0 : index
    %get3A_26 = vector.load %arg4[%get3A, %get3A_25] : memref<48x128xf32, #tpu.memory_space<vmem>>, vector<48x128xf32>
    %get3A_27 = arith.constant 0 : index
    %get3A_28 = arith.constant 0 : index
    %get3A_29 = vector.load %arg2[%get3A_27, %get3A_28] : memref<48x128xf32, #tpu.memory_space<vmem>>, vector<48x128xf32>
    %sub3A_30 = arith.subf %get3A_26, %get3A_29 : vector<48x128xf32>
    %max3A = arith.constant 0.000000e+00 : f32
    %max3A_31 = vector.broadcast %max3A : f32 to vector<48x128xf32>
    %max3A_32 = arith.maximumf %sub3A_30, %max3A_31 : vector<48x128xf32>
    %get3A_33 = arith.constant 0 : index
    %get3A_34 = arith.constant 0 : index
    %get3A_35 = vector.load %arg5[%get3A_33, %get3A_34] : memref<48x128xf32, #tpu.memory_space<vmem>>, vector<48x128xf32>
    %get3A_36 = arith.constant 0 : index
    %get3A_37 = arith.constant 0 : index
    %get3A_38 = vector.load %arg3[%get3A_36, %get3A_37] : memref<48x128xf32, #tpu.memory_space<vmem>>, vector<48x128xf32>
    %sub3A_39 = arith.subf %get3A_35, %get3A_38 : vector<48x128xf32>
    %max3A_40 = arith.constant 0.000000e+00 : f32
    %max3A_41 = vector.broadcast %max3A_40 : f32 to vector<48x128xf32>
    %max3A_42 = arith.maximumf %sub3A_39, %max3A_41 : vector<48x128xf32>
    %mul3A = arith.mulf %max3A_32, %max3A_42 : vector<48x128xf32>
    %swap3A_43 = arith.constant 0 : index
    %swap3A_44 = arith.constant 0 : index
    %swap3A_45 = vector.load %arg7[%swap3A_43, %swap3A_44] : memref<48x128xf32, #tpu.memory_space<vmem>>, vector<48x128xf32>
    tpu.vector_store %arg7[%swap3A_43, %swap3A_44], %mul3A {strides = array<i32>} : memref<48x128xf32, #tpu.memory_space<vmem>>, vector<48x128xf32>,
    %get3A_46 = arith.constant 0 : index
    %get3A_47 = arith.constant 0 : index
    %get3A_48 = vector.load %arg6[%get3A_46, %get3A_47] : memref<48x128xf32, #tpu.memory_space<vmem>>, vector<48x128xf32>
    %gt3A = arith.constant 5.000000e-02 : f32
    %gt3A_49 = vector.broadcast %gt3A : f32 to vector<48x128xf32>
    %gt3A_50 = arith.cmpf ogt, %get3A_48, %gt3A_49 : vector<48x128xf32>
    %convert_element_type3A_51 = arith.extui %gt3A_50 : vector<48x128xi1> to vector<48x128xi32>
    %convert_element_type3A_52 = arith.sitofp %convert_element_type3A_51 : vector<48x128xi32> to vector<48x128xf32>
    %swap3A_53 = arith.constant 0 : index
    %swap3A_54 = arith.constant 0 : index
    %swap3A_55 = vector.load %arg1[%swap3A_53, %swap3A_54] : memref<48x128xf32, #tpu.memory_space<vmem>>, vector<48x128xf32>
    tpu.vector_store %arg1[%swap3A_53, %swap3A_54], %convert_element_type3A_52 {strides = array<i32>} : memref<48x128xf32, #tpu.memory_space<vmem>>, vector<48x128xf32>,
    %scan3A_56 = arith.constant 0 : i32
    %scan3A_57 = arith.constant 40 : i32
    %scan3A_58 = arith.addi %scan3A_56, %scan3A_57 : i32
    %scan3A_59 = arith.constant 1 : i32
    scf.for %scan3A_61 = %scan3A_56 to %scan3A_58 step %scan3A_59  : i32 {
      %get3A_62 = arith.index_cast %scan3A_61 : i32 to index
      %get3A_63 = arith.constant 0 : index
      %get3A_64 = vector.load %arg2[%get3A_62, %get3A_63] : memref<48x128xf32, #tpu.memory_space<vmem>>, vector<1x128xf32>
      %get3A_65 = arith.index_cast %scan3A_61 : i32 to index
      %get3A_66 = arith.constant 0 : index
      %get3A_67 = vector.load %arg3[%get3A_65, %get3A_66] : memref<48x128xf32, #tpu.memory_space<vmem>>, vector<1x128xf32>
      %get3A_68 = arith.index_cast %scan3A_61 : i32 to index
      %get3A_69 = arith.constant 0 : index
      %get3A_70 = vector.load %arg4[%get3A_68, %get3A_69] : memref<48x128xf32, #tpu.memory_space<vmem>>, vector<1x128xf32>
      %get3A_71 = arith.index_cast %scan3A_61 : i32 to index
      %get3A_72 = arith.constant 0 : index
      %get3A_73 = vector.load %arg5[%get3A_71, %get3A_72] : memref<48x128xf32, #tpu.memory_space<vmem>>, vector<1x128xf32>
      %get3A_74 = arith.index_cast %scan3A_61 : i32 to index
      %get3A_75 = arith.constant 0 : index
      %get3A_76 = vector.load %arg7[%get3A_74, %get3A_75] : memref<48x128xf32, #tpu.memory_space<vmem>>, vector<1x128xf32>
      %broadcast_in_dim3A_77 = vector.shape_cast %get3A_64 : vector<1x128xf32> to vector<1x128xf32>
      %broadcast_in_dim3A_78 = vector.broadcast %broadcast_in_dim3A_77 : vector<1x128xf32> to vector<128x128xf32>
      %mul3A_79 = arith.mulf %broadcast_in_dim3A_78, %convert_element_type3A_1 : vector<128x128xf32>
      %reduce_sum3A = arith.constant dense<0.000000e+00> : vector<128xf32>
      %reduce_sum3A_80 = vector.multi_reduction <add>, %mul3A_79, %reduce_sum3A [1] : vector<128x128xf32> to vector<128xf32>
      %broadcast_in_dim3A_81 = vector.shape_cast %reduce_sum3A_80 : vector<128xf32> to vector<128x1xf32>
      %broadcast_in_dim3A_82 = vector.shape_cast %get3A_67 : vector<1x128xf32> to vector<1x128xf32>
      %broadcast_in_dim3A_83 = vector.broadcast %broadcast_in_dim3A_82 : vector<1x128xf32> to vector<128x128xf32>
      %mul3A_84 = arith.mulf %broadcast_in_dim3A_83, %convert_element_type3A_1 : vector<128x128xf32>
      %reduce_sum3A_85 = arith.constant dense<0.000000e+00> : vector<128xf32>
      %reduce_sum3A_86 = vector.multi_reduction <add>, %mul3A_84, %reduce_sum3A_85 [1] : vector<128x128xf32> to vector<128xf32>
      %broadcast_in_dim3A_87 = vector.shape_cast %reduce_sum3A_86 : vector<128xf32> to vector<128x1xf32>
      %broadcast_in_dim3A_88 = vector.shape_cast %get3A_70 : vector<1x128xf32> to vector<1x128xf32>
      %broadcast_in_dim3A_89 = vector.broadcast %broadcast_in_dim3A_88 : vector<1x128xf32> to vector<128x128xf32>
      %mul3A_90 = arith.mulf %broadcast_in_dim3A_89, %convert_element_type3A_1 : vector<128x128xf32>
      %reduce_sum3A_91 = arith.constant dense<0.000000e+00> : vector<128xf32>
      %reduce_sum3A_92 = vector.multi_reduction <add>, %mul3A_90, %reduce_sum3A_91 [1] : vector<128x128xf32> to vector<128xf32>
      %broadcast_in_dim3A_93 = vector.shape_cast %reduce_sum3A_92 : vector<128xf32> to vector<128x1xf32>
      %broadcast_in_dim3A_94 = vector.shape_cast %get3A_73 : vector<1x128xf32> to vector<1x128xf32>
      %broadcast_in_dim3A_95 = vector.broadcast %broadcast_in_dim3A_94 : vector<1x128xf32> to vector<128x128xf32>
      %mul3A_96 = arith.mulf %broadcast_in_dim3A_95, %convert_element_type3A_1 : vector<128x128xf32>
      %reduce_sum3A_97 = arith.constant dense<0.000000e+00> : vector<128xf32>
      %reduce_sum3A_98 = vector.multi_reduction <add>, %mul3A_96, %reduce_sum3A_97 [1] : vector<128x128xf32> to vector<128xf32>
      %broadcast_in_dim3A_99 = vector.shape_cast %reduce_sum3A_98 : vector<128xf32> to vector<128x1xf32>
      %broadcast_in_dim3A_100 = vector.shape_cast %get3A_76 : vector<1x128xf32> to vector<1x128xf32>
      %broadcast_in_dim3A_101 = vector.broadcast %broadcast_in_dim3A_100 : vector<1x128xf32> to vector<128x128xf32>
      %mul3A_102 = arith.mulf %broadcast_in_dim3A_101, %convert_element_type3A_1 : vector<128x128xf32>
      %reduce_sum3A_103 = arith.constant dense<0.000000e+00> : vector<128xf32>
      %reduce_sum3A_104 = vector.multi_reduction <add>, %mul3A_102, %reduce_sum3A_103 [1] : vector<128x128xf32> to vector<128xf32>
      %broadcast_in_dim3A_105 = vector.shape_cast %reduce_sum3A_104 : vector<128xf32> to vector<128x1xf32>
      %broadcast_in_dim3A_106 = vector.shape_cast %broadcast_in_dim3A_81 : vector<128x1xf32> to vector<128x1xf32>
      %broadcast_in_dim3A_107 = vector.broadcast %broadcast_in_dim3A_106 : vector<128x1xf32> to vector<128x128xf32>
      %broadcast_in_dim3A_108 = vector.shape_cast %broadcast_in_dim3A_87 : vector<128x1xf32> to vector<128x1xf32>
      %broadcast_in_dim3A_109 = vector.broadcast %broadcast_in_dim3A_108 : vector<128x1xf32> to vector<128x128xf32>
      %broadcast_in_dim3A_110 = vector.shape_cast %broadcast_in_dim3A_93 : vector<128x1xf32> to vector<128x1xf32>
      %broadcast_in_dim3A_111 = vector.broadcast %broadcast_in_dim3A_110 : vector<128x1xf32> to vector<128x128xf32>
      %broadcast_in_dim3A_112 = vector.shape_cast %broadcast_in_dim3A_99 : vector<128x1xf32> to vector<128x1xf32>
      %broadcast_in_dim3A_113 = vector.broadcast %broadcast_in_dim3A_112 : vector<128x1xf32> to vector<128x128xf32>
      %broadcast_in_dim3A_114 = vector.shape_cast %broadcast_in_dim3A_105 : vector<128x1xf32> to vector<128x1xf32>
      %broadcast_in_dim3A_115 = vector.broadcast %broadcast_in_dim3A_114 : vector<128x1xf32> to vector<128x128xf32>
      %max3A_116 = vector.broadcast %get3A_64 : vector<1x128xf32> to vector<128x128xf32>
      %max3A_117 = arith.maximumf %broadcast_in_dim3A_107, %max3A_116 : vector<128x128xf32>
      %max3A_118 = vector.broadcast %get3A_67 : vector<1x128xf32> to vector<128x128xf32>
      %max3A_119 = arith.maximumf %broadcast_in_dim3A_109, %max3A_118 : vector<128x128xf32>
      %min3A = vector.broadcast %get3A_70 : vector<1x128xf32> to vector<128x128xf32>
      %min3A_120 = arith.minimumf %broadcast_in_dim3A_111, %min3A : vector<128x128xf32>
      %min3A_121 = vector.broadcast %get3A_73 : vector<1x128xf32> to vector<128x128xf32>
      %min3A_122 = arith.minimumf %broadcast_in_dim3A_113, %min3A_121 : vector<128x128xf32>
      %sub3A_123 = arith.subf %min3A_120, %max3A_117 : vector<128x128xf32>
      %max3A_124 = arith.constant 0.000000e+00 : f32
      %max3A_125 = vector.broadcast %max3A_124 : f32 to vector<128x128xf32>
      %max3A_126 = arith.maximumf %sub3A_123, %max3A_125 : vector<128x128xf32>
      %sub3A_127 = arith.subf %min3A_122, %max3A_119 : vector<128x128xf32>
      %max3A_128 = arith.constant 0.000000e+00 : f32
      %max3A_129 = vector.broadcast %max3A_128 : f32 to vector<128x128xf32>
      %max3A_130 = arith.maximumf %sub3A_127, %max3A_129 : vector<128x128xf32>
      %mul3A_131 = arith.mulf %max3A_126, %max3A_130 : vector<128x128xf32>
      %add3A = vector.broadcast %get3A_76 : vector<1x128xf32> to vector<128x128xf32>
      %add3A_132 = arith.addf %broadcast_in_dim3A_115, %add3A : vector<128x128xf32>
      %sub3A_133 = arith.subf %add3A_132, %mul3A_131 : vector<128x128xf32>
      %add3A_134 = arith.constant 9.99999971E-10 : f32
      %add3A_135 = vector.broadcast %add3A_134 : f32 to vector<128x128xf32>
      %add3A_136 = arith.addf %sub3A_133, %add3A_135 : vector<128x128xf32>
      %div3A = arith.divf %mul3A_131, %add3A_136 : vector<128x128xf32>
      %gt3A_137 = arith.constant 5.000000e-01 : f32
      %gt3A_138 = vector.broadcast %gt3A_137 : f32 to vector<128x128xf32>
      %gt3A_139 = arith.cmpf ogt, %div3A, %gt3A_138 : vector<128x128xf32>
      %convert_element_type3A_140 = arith.extui %gt3A_139 : vector<128x128xi1> to vector<128x128xi32>
      %convert_element_type3A_141 = arith.sitofp %convert_element_type3A_140 : vector<128x128xi32> to vector<128x128xf32>
      %mul3A_142 = arith.mulf %convert_element_type3A_141, %convert_element_type3A_3 : vector<128x128xf32>
      %get3A_143 = arith.index_cast %scan3A_61 : i32 to index
      %get3A_144 = arith.constant 0 : index
      %get3A_145 = vector.load %arg1[%get3A_143, %get3A_144] : memref<48x128xf32, #tpu.memory_space<vmem>>, vector<1x128xf32>
      %while3A = arith.constant true
      %while3A_146:2 = scf.while (%while3A_234 = %get3A_145, %while3A_235 = %while3A) : (vector<1x128xf32>, i1) -> (vector<1x128xf32>, i1) {
        scf.condition(%while3A_235) %while3A_234, %while3A_235 : vector<1x128xf32>, i1
      } do {
      ^bb0(%while3A_234: vector<1x128xf32>, %while3A_235: i1):
        %dot_general3A = arith.constant dense<0.000000e+00> : vector<1x128xf32>
        %dot_general3A_236 = tpu.matmul %while3A_234, %mul3A_142, %dot_general3A {dimension_numbers = #tpu.dot_dimension_numbers<[1], [0], [0], [1], [0, 0, 1, 1], [], []>, transpose_lhs_hint = false} : vector<1x128xf32>, vector<128x128xf32>, vector<1x128xf32> -> vector<1x128xf32>
        %lt3A_237 = arith.constant 5.000000e-01 : f32
        %lt3A_238 = vector.broadcast %lt3A_237 : f32 to vector<1x128xf32>
        %lt3A_239 = arith.cmpf olt, %dot_general3A_236, %lt3A_238 : vector<1x128xf32>
        %convert_element_type3A_240 = arith.extui %lt3A_239 : vector<1x128xi1> to vector<1x128xi32>
        %convert_element_type3A_241 = arith.sitofp %convert_element_type3A_240 : vector<1x128xi32> to vector<1x128xf32>
        %mul3A_242 = arith.mulf %get3A_145, %convert_element_type3A_241 : vector<1x128xf32>
        %sub3A_243 = arith.subf %mul3A_242, %while3A_234 : vector<1x128xf32>
        %abs3A = math.absf %sub3A_243 : vector<1x128xf32>
        %reduce_sum3A_244 = vector.shape_cast %abs3A : vector<1x128xf32> to vector<1x1x128xf32>
        %reduce_sum3A_245 = arith.constant dense<0.000000e+00> : vector<1xf32>
        %reduce_sum3A_246 = vector.multi_reduction <add>, %reduce_sum3A_244, %reduce_sum3A_245 [1, 2] : vector<1x1x128xf32> to vector<1xf32>
        %reduce_sum3A_247 = vector.shape_cast %reduce_sum3A_246 : vector<1xf32> to vector<1x1x1xf32>
        %reduce_sum3A_248 = vector.extract %reduce_sum3A_247[0, 0, 0] : f32 from vector<1x1x1xf32>
        %gt3A_249 = arith.constant 0.000000e+00 : f32
        %gt3A_250 = arith.cmpf ogt, %reduce_sum3A_248, %gt3A_249 : f32
        scf.yield %mul3A_242, %gt3A_250 : vector<1x128xf32>, i1
      }
      %swap3A_147 = arith.index_cast %scan3A_61 : i32 to index
      %swap3A_148 = arith.constant 0 : index
      %swap3A_149 = vector.load %arg1[%swap3A_147, %swap3A_148] : memref<48x128xf32, #tpu.memory_space<vmem>>, vector<1x128xf32>
      tpu.vector_store %arg1[%swap3A_147, %swap3A_148], %while3A_146#0 {strides = array<i32>} : memref<48x128xf32, #tpu.memory_space<vmem>>, vector<1x128xf32>,
      %broadcast_in_dim3A_150 = vector.shape_cast %while3A_146#0 : vector<1x128xf32> to vector<1x128xf32>
      %broadcast_in_dim3A_151 = vector.broadcast %broadcast_in_dim3A_150 : vector<1x128xf32> to vector<128x128xf32>
      %mul3A_152 = arith.mulf %broadcast_in_dim3A_151, %convert_element_type3A_1 : vector<128x128xf32>
      %reduce_sum3A_153 = arith.constant dense<0.000000e+00> : vector<128xf32>
      %reduce_sum3A_154 = vector.multi_reduction <add>, %mul3A_152, %reduce_sum3A_153 [1] : vector<128x128xf32> to vector<128xf32>
      %broadcast_in_dim3A_155 = vector.shape_cast %reduce_sum3A_154 : vector<128xf32> to vector<128x1xf32>
      %gt3A_156 = arith.constant 0.000000e+00 : f32
      %gt3A_157 = vector.broadcast %gt3A_156 : f32 to vector<128x1xf32>
      %gt3A_158 = arith.cmpf ogt, %broadcast_in_dim3A_155, %gt3A_157 : vector<128x1xf32>
      %jit3A = arith.constant 0.000000e+00 : f32
      %broadcast_in_dim3A_159 = vector.broadcast %jit3A : f32 to vector<128x1xf32>
      %select_n3A = arith.select %gt3A_158, %broadcast_in_dim3A_81, %broadcast_in_dim3A_159 : vector<128x1xi1>, vector<128x1xf32>
      %broadcast_in_dim3A_160 = vector.shape_cast %select_n3A : vector<128x1xf32> to vector<128x1xf32>
      %broadcast_in_dim3A_161 = vector.broadcast %broadcast_in_dim3A_160 : vector<128x1xf32> to vector<128x128xf32>
      %gt3A_162 = arith.constant 0.000000e+00 : f32
      %gt3A_163 = vector.broadcast %gt3A_162 : f32 to vector<128x1xf32>
      %gt3A_164 = arith.cmpf ogt, %broadcast_in_dim3A_155, %gt3A_163 : vector<128x1xf32>
      %jit3A_165 = arith.constant 0.000000e+00 : f32
      %broadcast_in_dim3A_166 = vector.broadcast %jit3A_165 : f32 to vector<128x1xf32>
      %select_n3A_167 = arith.select %gt3A_164, %broadcast_in_dim3A_87, %broadcast_in_dim3A_166 : vector<128x1xi1>, vector<128x1xf32>
      %broadcast_in_dim3A_168 = vector.shape_cast %select_n3A_167 : vector<128x1xf32> to vector<128x1xf32>
      %broadcast_in_dim3A_169 = vector.broadcast %broadcast_in_dim3A_168 : vector<128x1xf32> to vector<128x128xf32>
      %gt3A_170 = arith.constant 0.000000e+00 : f32
      %gt3A_171 = vector.broadcast %gt3A_170 : f32 to vector<128x1xf32>
      %gt3A_172 = arith.cmpf ogt, %broadcast_in_dim3A_155, %gt3A_171 : vector<128x1xf32>
      %jit3A_173 = arith.constant 0.000000e+00 : f32
      %broadcast_in_dim3A_174 = vector.broadcast %jit3A_173 : f32 to vector<128x1xf32>
      %select_n3A_175 = arith.select %gt3A_172, %broadcast_in_dim3A_93, %broadcast_in_dim3A_174 : vector<128x1xi1>, vector<128x1xf32>
      %broadcast_in_dim3A_176 = vector.shape_cast %select_n3A_175 : vector<128x1xf32> to vector<128x1xf32>
      %broadcast_in_dim3A_177 = vector.broadcast %broadcast_in_dim3A_176 : vector<128x1xf32> to vector<128x128xf32>
      %gt3A_178 = arith.constant 0.000000e+00 : f32
      %gt3A_179 = vector.broadcast %gt3A_178 : f32 to vector<128x1xf32>
      %gt3A_180 = arith.cmpf ogt, %broadcast_in_dim3A_155, %gt3A_179 : vector<128x1xf32>
      %jit3A_181 = arith.constant 0.000000e+00 : f32
      %broadcast_in_dim3A_182 = vector.broadcast %jit3A_181 : f32 to vector<128x1xf32>
      %select_n3A_183 = arith.select %gt3A_180, %broadcast_in_dim3A_99, %broadcast_in_dim3A_182 : vector<128x1xi1>, vector<128x1xf32>
      %broadcast_in_dim3A_184 = vector.shape_cast %select_n3A_183 : vector<128x1xf32> to vector<128x1xf32>
      %broadcast_in_dim3A_185 = vector.broadcast %broadcast_in_dim3A_184 : vector<128x1xf32> to vector<128x128xf32>
      %gt3A_186 = arith.constant 0.000000e+00 : f32
      %gt3A_187 = vector.broadcast %gt3A_186 : f32 to vector<128x1xf32>
      %gt3A_188 = arith.cmpf ogt, %broadcast_in_dim3A_155, %gt3A_187 : vector<128x1xf32>
      %jit3A_189 = arith.constant 0.000000e+00 : f32
      %broadcast_in_dim3A_190 = vector.broadcast %jit3A_189 : f32 to vector<128x1xf32>
      %select_n3A_191 = arith.select %gt3A_188, %broadcast_in_dim3A_105, %broadcast_in_dim3A_190 : vector<128x1xi1>, vector<128x1xf32>
      %broadcast_in_dim3A_192 = vector.shape_cast %select_n3A_191 : vector<128x1xf32> to vector<128x1xf32>
      %broadcast_in_dim3A_193 = vector.broadcast %broadcast_in_dim3A_192 : vector<128x1xf32> to vector<128x128xf32>
      %sub3A_194 = arith.constant 40 : i32
      %sub3A_195 = arith.subi %sub3A_194, %scan3A_61 : i32
      %sub3A_196 = arith.constant 1 : i32
      %sub3A_197 = arith.subi %sub3A_195, %sub3A_196 : i32
      %add3A_198 = arith.constant 8 : i32
      %add3A_199 = arith.addi %sub3A_197, %add3A_198 : i32
      %sub3A_200 = arith.constant 1 : i32
      %sub3A_201 = arith.subi %add3A_199, %sub3A_200 : i32
      %jit3A_202 = arith.constant 8 : i32
      %div3A_203 = arith.divsi %sub3A_201, %jit3A_202 : i32
      %sign3A = arith.constant 0 : i32
      %sign3A_204 = arith.cmpi sgt, %sub3A_201, %sign3A : i32
      %sign3A_205 = arith.extui %sign3A_204 : i1 to i32
      %sign3A_206 = arith.constant 0 : i32
      %sign3A_207 = arith.cmpi slt, %sub3A_201, %sign3A_206 : i32
      %sign3A_208 = arith.extui %sign3A_207 : i1 to i32
      %sign3A_209 = arith.subi %sign3A_205, %sign3A_208 : i32
      %sign3A_210 = arith.constant 0 : i32
      %sign3A_211 = arith.cmpi sgt, %jit3A_202, %sign3A_210 : i32
      %sign3A_212 = arith.extui %sign3A_211 : i1 to i32
      %sign3A_213 = arith.constant 0 : i32
      %sign3A_214 = arith.cmpi slt, %jit3A_202, %sign3A_213 : i32
      %sign3A_215 = arith.extui %sign3A_214 : i1 to i32
      %sign3A_216 = arith.subi %sign3A_212, %sign3A_215 : i32
      %ne3A = arith.cmpi ne, %sign3A_209, %sign3A_216 : i32
      %rem3A = arith.remsi %sub3A_201, %jit3A_202 : i32
      %ne3A_217 = arith.constant 0 : i32
      %ne3A_218 = arith.cmpi ne, %rem3A, %ne3A_217 : i32
      %and3A = arith.andi %ne3A, %ne3A_218 : i1
      %sub3A_219 = arith.constant 1 : i32
      %sub3A_220 = arith.subi %div3A_203, %sub3A_219 : i32
      %select_n3A_221 = arith.select %and3A, %sub3A_220, %div3A_203 : i32
      %while3A_222 = arith.constant 0 : i32
      %while3A_223 = arith.constant 0 : i32
      %while3A_224 = arith.subi %select_n3A_221, %while3A_222 : i32
      %while3A_225 = arith.addi %while3A_222, %while3A_224 : i32
      %while3A_226 = arith.constant 1 : i32
      %while3A_227 = arith.divsi %while3A_224, %while3A_226 : i32
      %while3A_228 = arith.muli %while3A_227, %while3A_226 : i32
      %while3A_229 = arith.addi %while3A_222, %while3A_228 : i32
      %while3A_230 = arith.constant 1 : i32
      %while3A_231 = scf.for %while3A_234 = %while3A_222 to %while3A_229 step %while3A_230 iter_args(%while3A_235 = %while3A_223) -> (i32)  : i32 {
        %add3A_236 = arith.constant 1 : i32
        %add3A_237 = arith.addi %scan3A_61, %add3A_236 : i32
        %mul3A_238 = arith.constant 8 : i32
        %mul3A_239 = arith.muli %while3A_234, %mul3A_238 : i32
        %add3A_240 = arith.addi %add3A_237, %mul3A_239 : i32
        %get3A_241 = arith.index_cast %add3A_240 : i32 to index
        %get3A_242 = arith.constant 0 : index
        %get3A_243 = vector.load %arg2[%get3A_241, %get3A_242] : memref<48x128xf32, #tpu.memory_space<vmem>>, vector<8x128xf32>
        %get3A_244 = arith.index_cast %add3A_240 : i32 to index
        %get3A_245 = arith.constant 0 : index
        %get3A_246 = vector.load %arg3[%get3A_244, %get3A_245] : memref<48x128xf32, #tpu.memory_space<vmem>>, vector<8x128xf32>
        %get3A_247 = arith.index_cast %add3A_240 : i32 to index
        %get3A_248 = arith.constant 0 : index
        %get3A_249 = vector.load %arg4[%get3A_247, %get3A_248] : memref<48x128xf32, #tpu.memory_space<vmem>>, vector<8x128xf32>
        %get3A_250 = arith.index_cast %add3A_240 : i32 to index
        %get3A_251 = arith.constant 0 : index
        %get3A_252 = vector.load %arg5[%get3A_250, %get3A_251] : memref<48x128xf32, #tpu.memory_space<vmem>>, vector<8x128xf32>
        %get3A_253 = arith.index_cast %add3A_240 : i32 to index
        %get3A_254 = arith.constant 0 : index
        %get3A_255 = vector.load %arg7[%get3A_253, %get3A_254] : memref<48x128xf32, #tpu.memory_space<vmem>>, vector<8x128xf32>
        %slice3A = vector.extract_strided_slice %get3A_243 {offsets = [0, 0], sizes = [1, 128], strides = [1, 1]} : vector<8x128xf32> to vector<1x128xf32>
        %slice3A_256 = vector.extract_strided_slice %get3A_246 {offsets = [0, 0], sizes = [1, 128], strides = [1, 1]} : vector<8x128xf32> to vector<1x128xf32>
        %slice3A_257 = vector.extract_strided_slice %get3A_249 {offsets = [0, 0], sizes = [1, 128], strides = [1, 1]} : vector<8x128xf32> to vector<1x128xf32>
        %slice3A_258 = vector.extract_strided_slice %get3A_252 {offsets = [0, 0], sizes = [1, 128], strides = [1, 1]} : vector<8x128xf32> to vector<1x128xf32>
        %slice3A_259 = vector.extract_strided_slice %get3A_255 {offsets = [0, 0], sizes = [1, 128], strides = [1, 1]} : vector<8x128xf32> to vector<1x128xf32>
        %max3A_260 = vector.broadcast %slice3A : vector<1x128xf32> to vector<128x128xf32>
        %max3A_261 = arith.maximumf %broadcast_in_dim3A_161, %max3A_260 : vector<128x128xf32>
        %max3A_262 = vector.broadcast %slice3A_256 : vector<1x128xf32> to vector<128x128xf32>
        %max3A_263 = arith.maximumf %broadcast_in_dim3A_169, %max3A_262 : vector<128x128xf32>
        %min3A_264 = vector.broadcast %slice3A_257 : vector<1x128xf32> to vector<128x128xf32>
        %min3A_265 = arith.minimumf %broadcast_in_dim3A_177, %min3A_264 : vector<128x128xf32>
        %min3A_266 = vector.broadcast %slice3A_258 : vector<1x128xf32> to vector<128x128xf32>
        %min3A_267 = arith.minimumf %broadcast_in_dim3A_185, %min3A_266 : vector<128x128xf32>
        %sub3A_268 = arith.subf %min3A_265, %max3A_261 : vector<128x128xf32>
        %max3A_269 = arith.constant 0.000000e+00 : f32
        %max3A_270 = vector.broadcast %max3A_269 : f32 to vector<128x128xf32>
        %max3A_271 = arith.maximumf %sub3A_268, %max3A_270 : vector<128x128xf32>
        %sub3A_272 = arith.subf %min3A_267, %max3A_263 : vector<128x128xf32>
        %max3A_273 = arith.constant 0.000000e+00 : f32
        %max3A_274 = vector.broadcast %max3A_273 : f32 to vector<128x128xf32>
        %max3A_275 = arith.maximumf %sub3A_272, %max3A_274 : vector<128x128xf32>
        %mul3A_276 = arith.mulf %max3A_271, %max3A_275 : vector<128x128xf32>
        %add3A_277 = vector.broadcast %slice3A_259 : vector<1x128xf32> to vector<128x128xf32>
        %add3A_278 = arith.addf %broadcast_in_dim3A_193, %add3A_277 : vector<128x128xf32>
        %sub3A_279 = arith.subf %add3A_278, %mul3A_276 : vector<128x128xf32>
        %add3A_280 = arith.constant 9.99999971E-10 : f32
        %add3A_281 = vector.broadcast %add3A_280 : f32 to vector<128x128xf32>
        %add3A_282 = arith.addf %sub3A_279, %add3A_281 : vector<128x128xf32>
        %div3A_283 = arith.divf %mul3A_276, %add3A_282 : vector<128x128xf32>
        %reduce_max3A = arith.constant dense<0xFF800000> : vector<128xf32>
        %reduce_max3A_284 = vector.multi_reduction <maximumf>, %div3A_283, %reduce_max3A [0] : vector<128x128xf32> to vector<128xf32>
        %broadcast_in_dim3A_285 = vector.shape_cast %reduce_max3A_284 : vector<128xf32> to vector<1x128xf32>
        %slice3A_286 = vector.extract_strided_slice %get3A_243 {offsets = [1, 0], sizes = [1, 128], strides = [1, 1]} : vector<8x128xf32> to vector<1x128xf32>
        %slice3A_287 = vector.extract_strided_slice %get3A_246 {offsets = [1, 0], sizes = [1, 128], strides = [1, 1]} : vector<8x128xf32> to vector<1x128xf32>
        %slice3A_288 = vector.extract_strided_slice %get3A_249 {offsets = [1, 0], sizes = [1, 128], strides = [1, 1]} : vector<8x128xf32> to vector<1x128xf32>
        %slice3A_289 = vector.extract_strided_slice %get3A_252 {offsets = [1, 0], sizes = [1, 128], strides = [1, 1]} : vector<8x128xf32> to vector<1x128xf32>
        %slice3A_290 = vector.extract_strided_slice %get3A_255 {offsets = [1, 0], sizes = [1, 128], strides = [1, 1]} : vector<8x128xf32> to vector<1x128xf32>
        %max3A_291 = vector.broadcast %slice3A_286 : vector<1x128xf32> to vector<128x128xf32>
        %max3A_292 = arith.maximumf %broadcast_in_dim3A_161, %max3A_291 : vector<128x128xf32>
        %max3A_293 = vector.broadcast %slice3A_287 : vector<1x128xf32> to vector<128x128xf32>
        %max3A_294 = arith.maximumf %broadcast_in_dim3A_169, %max3A_293 : vector<128x128xf32>
        %min3A_295 = vector.broadcast %slice3A_288 : vector<1x128xf32> to vector<128x128xf32>
        %min3A_296 = arith.minimumf %broadcast_in_dim3A_177, %min3A_295 : vector<128x128xf32>
        %min3A_297 = vector.broadcast %slice3A_289 : vector<1x128xf32> to vector<128x128xf32>
        %min3A_298 = arith.minimumf %broadcast_in_dim3A_185, %min3A_297 : vector<128x128xf32>
        %sub3A_299 = arith.subf %min3A_296, %max3A_292 : vector<128x128xf32>
        %max3A_300 = arith.constant 0.000000e+00 : f32
        %max3A_301 = vector.broadcast %max3A_300 : f32 to vector<128x128xf32>
        %max3A_302 = arith.maximumf %sub3A_299, %max3A_301 : vector<128x128xf32>
        %sub3A_303 = arith.subf %min3A_298, %max3A_294 : vector<128x128xf32>
        %max3A_304 = arith.constant 0.000000e+00 : f32
        %max3A_305 = vector.broadcast %max3A_304 : f32 to vector<128x128xf32>
        %max3A_306 = arith.maximumf %sub3A_303, %max3A_305 : vector<128x128xf32>
        %mul3A_307 = arith.mulf %max3A_302, %max3A_306 : vector<128x128xf32>
        %add3A_308 = vector.broadcast %slice3A_290 : vector<1x128xf32> to vector<128x128xf32>
        %add3A_309 = arith.addf %broadcast_in_dim3A_193, %add3A_308 : vector<128x128xf32>
        %sub3A_310 = arith.subf %add3A_309, %mul3A_307 : vector<128x128xf32>
        %add3A_311 = arith.constant 9.99999971E-10 : f32
        %add3A_312 = vector.broadcast %add3A_311 : f32 to vector<128x128xf32>
        %add3A_313 = arith.addf %sub3A_310, %add3A_312 : vector<128x128xf32>
        %div3A_314 = arith.divf %mul3A_307, %add3A_313 : vector<128x128xf32>
        %reduce_max3A_315 = arith.constant dense<0xFF800000> : vector<128xf32>
        %reduce_max3A_316 = vector.multi_reduction <maximumf>, %div3A_314, %reduce_max3A_315 [0] : vector<128x128xf32> to vector<128xf32>
        %broadcast_in_dim3A_317 = vector.shape_cast %reduce_max3A_316 : vector<128xf32> to vector<1x128xf32>
        %slice3A_318 = vector.extract_strided_slice %get3A_243 {offsets = [2, 0], sizes = [1, 128], strides = [1, 1]} : vector<8x128xf32> to vector<1x128xf32>
        %slice3A_319 = vector.extract_strided_slice %get3A_246 {offsets = [2, 0], sizes = [1, 128], strides = [1, 1]} : vector<8x128xf32> to vector<1x128xf32>
        %slice3A_320 = vector.extract_strided_slice %get3A_249 {offsets = [2, 0], sizes = [1, 128], strides = [1, 1]} : vector<8x128xf32> to vector<1x128xf32>
        %slice3A_321 = vector.extract_strided_slice %get3A_252 {offsets = [2, 0], sizes = [1, 128], strides = [1, 1]} : vector<8x128xf32> to vector<1x128xf32>
        %slice3A_322 = vector.extract_strided_slice %get3A_255 {offsets = [2, 0], sizes = [1, 128], strides = [1, 1]} : vector<8x128xf32> to vector<1x128xf32>
        %max3A_323 = vector.broadcast %slice3A_318 : vector<1x128xf32> to vector<128x128xf32>
        %max3A_324 = arith.maximumf %broadcast_in_dim3A_161, %max3A_323 : vector<128x128xf32>
        %max3A_325 = vector.broadcast %slice3A_319 : vector<1x128xf32> to vector<128x128xf32>
        %max3A_326 = arith.maximumf %broadcast_in_dim3A_169, %max3A_325 : vector<128x128xf32>
        %min3A_327 = vector.broadcast %slice3A_320 : vector<1x128xf32> to vector<128x128xf32>
        %min3A_328 = arith.minimumf %broadcast_in_dim3A_177, %min3A_327 : vector<128x128xf32>
        %min3A_329 = vector.broadcast %slice3A_321 : vector<1x128xf32> to vector<128x128xf32>
        %min3A_330 = arith.minimumf %broadcast_in_dim3A_185, %min3A_329 : vector<128x128xf32>
        %sub3A_331 = arith.subf %min3A_328, %max3A_324 : vector<128x128xf32>
        %max3A_332 = arith.constant 0.000000e+00 : f32
        %max3A_333 = vector.broadcast %max3A_332 : f32 to vector<128x128xf32>
        %max3A_334 = arith.maximumf %sub3A_331, %max3A_333 : vector<128x128xf32>
        %sub3A_335 = arith.subf %min3A_330, %max3A_326 : vector<128x128xf32>
        %max3A_336 = arith.constant 0.000000e+00 : f32
        %max3A_337 = vector.broadcast %max3A_336 : f32 to vector<128x128xf32>
        %max3A_338 = arith.maximumf %sub3A_335, %max3A_337 : vector<128x128xf32>
        %mul3A_339 = arith.mulf %max3A_334, %max3A_338 : vector<128x128xf32>
        %add3A_340 = vector.broadcast %slice3A_322 : vector<1x128xf32> to vector<128x128xf32>
        %add3A_341 = arith.addf %broadcast_in_dim3A_193, %add3A_340 : vector<128x128xf32>
        %sub3A_342 = arith.subf %add3A_341, %mul3A_339 : vector<128x128xf32>
        %add3A_343 = arith.constant 9.99999971E-10 : f32
        %add3A_344 = vector.broadcast %add3A_343 : f32 to vector<128x128xf32>
        %add3A_345 = arith.addf %sub3A_342, %add3A_344 : vector<128x128xf32>
        %div3A_346 = arith.divf %mul3A_339, %add3A_345 : vector<128x128xf32>
        %reduce_max3A_347 = arith.constant dense<0xFF800000> : vector<128xf32>
        %reduce_max3A_348 = vector.multi_reduction <maximumf>, %div3A_346, %reduce_max3A_347 [0] : vector<128x128xf32> to vector<128xf32>
        %broadcast_in_dim3A_349 = vector.shape_cast %reduce_max3A_348 : vector<128xf32> to vector<1x128xf32>
        %slice3A_350 = vector.extract_strided_slice %get3A_243 {offsets = [3, 0], sizes = [1, 128], strides = [1, 1]} : vector<8x128xf32> to vector<1x128xf32>
        %slice3A_351 = vector.extract_strided_slice %get3A_246 {offsets = [3, 0], sizes = [1, 128], strides = [1, 1]} : vector<8x128xf32> to vector<1x128xf32>
        %slice3A_352 = vector.extract_strided_slice %get3A_249 {offsets = [3, 0], sizes = [1, 128], strides = [1, 1]} : vector<8x128xf32> to vector<1x128xf32>
        %slice3A_353 = vector.extract_strided_slice %get3A_252 {offsets = [3, 0], sizes = [1, 128], strides = [1, 1]} : vector<8x128xf32> to vector<1x128xf32>
        %slice3A_354 = vector.extract_strided_slice %get3A_255 {offsets = [3, 0], sizes = [1, 128], strides = [1, 1]} : vector<8x128xf32> to vector<1x128xf32>
        %max3A_355 = vector.broadcast %slice3A_350 : vector<1x128xf32> to vector<128x128xf32>
        %max3A_356 = arith.maximumf %broadcast_in_dim3A_161, %max3A_355 : vector<128x128xf32>
        %max3A_357 = vector.broadcast %slice3A_351 : vector<1x128xf32> to vector<128x128xf32>
        %max3A_358 = arith.maximumf %broadcast_in_dim3A_169, %max3A_357 : vector<128x128xf32>
        %min3A_359 = vector.broadcast %slice3A_352 : vector<1x128xf32> to vector<128x128xf32>
        %min3A_360 = arith.minimumf %broadcast_in_dim3A_177, %min3A_359 : vector<128x128xf32>
        %min3A_361 = vector.broadcast %slice3A_353 : vector<1x128xf32> to vector<128x128xf32>
        %min3A_362 = arith.minimumf %broadcast_in_dim3A_185, %min3A_361 : vector<128x128xf32>
        %sub3A_363 = arith.subf %min3A_360, %max3A_356 : vector<128x128xf32>
        %max3A_364 = arith.constant 0.000000e+00 : f32
        %max3A_365 = vector.broadcast %max3A_364 : f32 to vector<128x128xf32>
        %max3A_366 = arith.maximumf %sub3A_363, %max3A_365 : vector<128x128xf32>
        %sub3A_367 = arith.subf %min3A_362, %max3A_358 : vector<128x128xf32>
        %max3A_368 = arith.constant 0.000000e+00 : f32
        %max3A_369 = vector.broadcast %max3A_368 : f32 to vector<128x128xf32>
        %max3A_370 = arith.maximumf %sub3A_367, %max3A_369 : vector<128x128xf32>
        %mul3A_371 = arith.mulf %max3A_366, %max3A_370 : vector<128x128xf32>
        %add3A_372 = vector.broadcast %slice3A_354 : vector<1x128xf32> to vector<128x128xf32>
        %add3A_373 = arith.addf %broadcast_in_dim3A_193, %add3A_372 : vector<128x128xf32>
        %sub3A_374 = arith.subf %add3A_373, %mul3A_371 : vector<128x128xf32>
        %add3A_375 = arith.constant 9.99999971E-10 : f32
        %add3A_376 = vector.broadcast %add3A_375 : f32 to vector<128x128xf32>
        %add3A_377 = arith.addf %sub3A_374, %add3A_376 : vector<128x128xf32>
        %div3A_378 = arith.divf %mul3A_371, %add3A_377 : vector<128x128xf32>
        %reduce_max3A_379 = arith.constant dense<0xFF800000> : vector<128xf32>
        %reduce_max3A_380 = vector.multi_reduction <maximumf>, %div3A_378, %reduce_max3A_379 [0] : vector<128x128xf32> to vector<128xf32>
        %broadcast_in_dim3A_381 = vector.shape_cast %reduce_max3A_380 : vector<128xf32> to vector<1x128xf32>
        %slice3A_382 = vector.extract_strided_slice %get3A_243 {offsets = [4, 0], sizes = [1, 128], strides = [1, 1]} : vector<8x128xf32> to vector<1x128xf32>
        %slice3A_383 = vector.extract_strided_slice %get3A_246 {offsets = [4, 0], sizes = [1, 128], strides = [1, 1]} : vector<8x128xf32> to vector<1x128xf32>
        %slice3A_384 = vector.extract_strided_slice %get3A_249 {offsets = [4, 0], sizes = [1, 128], strides = [1, 1]} : vector<8x128xf32> to vector<1x128xf32>
        %slice3A_385 = vector.extract_strided_slice %get3A_252 {offsets = [4, 0], sizes = [1, 128], strides = [1, 1]} : vector<8x128xf32> to vector<1x128xf32>
        %slice3A_386 = vector.extract_strided_slice %get3A_255 {offsets = [4, 0], sizes = [1, 128], strides = [1, 1]} : vector<8x128xf32> to vector<1x128xf32>
        %max3A_387 = vector.broadcast %slice3A_382 : vector<1x128xf32> to vector<128x128xf32>
        %max3A_388 = arith.maximumf %broadcast_in_dim3A_161, %max3A_387 : vector<128x128xf32>
        %max3A_389 = vector.broadcast %slice3A_383 : vector<1x128xf32> to vector<128x128xf32>
        %max3A_390 = arith.maximumf %broadcast_in_dim3A_169, %max3A_389 : vector<128x128xf32>
        %min3A_391 = vector.broadcast %slice3A_384 : vector<1x128xf32> to vector<128x128xf32>
        %min3A_392 = arith.minimumf %broadcast_in_dim3A_177, %min3A_391 : vector<128x128xf32>
        %min3A_393 = vector.broadcast %slice3A_385 : vector<1x128xf32> to vector<128x128xf32>
        %min3A_394 = arith.minimumf %broadcast_in_dim3A_185, %min3A_393 : vector<128x128xf32>
        %sub3A_395 = arith.subf %min3A_392, %max3A_388 : vector<128x128xf32>
        %max3A_396 = arith.constant 0.000000e+00 : f32
        %max3A_397 = vector.broadcast %max3A_396 : f32 to vector<128x128xf32>
        %max3A_398 = arith.maximumf %sub3A_395, %max3A_397 : vector<128x128xf32>
        %sub3A_399 = arith.subf %min3A_394, %max3A_390 : vector<128x128xf32>
        %max3A_400 = arith.constant 0.000000e+00 : f32
        %max3A_401 = vector.broadcast %max3A_400 : f32 to vector<128x128xf32>
        %max3A_402 = arith.maximumf %sub3A_399, %max3A_401 : vector<128x128xf32>
        %mul3A_403 = arith.mulf %max3A_398, %max3A_402 : vector<128x128xf32>
        %add3A_404 = vector.broadcast %slice3A_386 : vector<1x128xf32> to vector<128x128xf32>
        %add3A_405 = arith.addf %broadcast_in_dim3A_193, %add3A_404 : vector<128x128xf32>
        %sub3A_406 = arith.subf %add3A_405, %mul3A_403 : vector<128x128xf32>
        %add3A_407 = arith.constant 9.99999971E-10 : f32
        %add3A_408 = vector.broadcast %add3A_407 : f32 to vector<128x128xf32>
        %add3A_409 = arith.addf %sub3A_406, %add3A_408 : vector<128x128xf32>
        %div3A_410 = arith.divf %mul3A_403, %add3A_409 : vector<128x128xf32>
        %reduce_max3A_411 = arith.constant dense<0xFF800000> : vector<128xf32>
        %reduce_max3A_412 = vector.multi_reduction <maximumf>, %div3A_410, %reduce_max3A_411 [0] : vector<128x128xf32> to vector<128xf32>
        %broadcast_in_dim3A_413 = vector.shape_cast %reduce_max3A_412 : vector<128xf32> to vector<1x128xf32>
        %slice3A_414 = vector.extract_strided_slice %get3A_243 {offsets = [5, 0], sizes = [1, 128], strides = [1, 1]} : vector<8x128xf32> to vector<1x128xf32>
        %slice3A_415 = vector.extract_strided_slice %get3A_246 {offsets = [5, 0], sizes = [1, 128], strides = [1, 1]} : vector<8x128xf32> to vector<1x128xf32>
        %slice3A_416 = vector.extract_strided_slice %get3A_249 {offsets = [5, 0], sizes = [1, 128], strides = [1, 1]} : vector<8x128xf32> to vector<1x128xf32>
        %slice3A_417 = vector.extract_strided_slice %get3A_252 {offsets = [5, 0], sizes = [1, 128], strides = [1, 1]} : vector<8x128xf32> to vector<1x128xf32>
        %slice3A_418 = vector.extract_strided_slice %get3A_255 {offsets = [5, 0], sizes = [1, 128], strides = [1, 1]} : vector<8x128xf32> to vector<1x128xf32>
        %max3A_419 = vector.broadcast %slice3A_414 : vector<1x128xf32> to vector<128x128xf32>
        %max3A_420 = arith.maximumf %broadcast_in_dim3A_161, %max3A_419 : vector<128x128xf32>
        %max3A_421 = vector.broadcast %slice3A_415 : vector<1x128xf32> to vector<128x128xf32>
        %max3A_422 = arith.maximumf %broadcast_in_dim3A_169, %max3A_421 : vector<128x128xf32>
        %min3A_423 = vector.broadcast %slice3A_416 : vector<1x128xf32> to vector<128x128xf32>
        %min3A_424 = arith.minimumf %broadcast_in_dim3A_177, %min3A_423 : vector<128x128xf32>
        %min3A_425 = vector.broadcast %slice3A_417 : vector<1x128xf32> to vector<128x128xf32>
        %min3A_426 = arith.minimumf %broadcast_in_dim3A_185, %min3A_425 : vector<128x128xf32>
        %sub3A_427 = arith.subf %min3A_424, %max3A_420 : vector<128x128xf32>
        %max3A_428 = arith.constant 0.000000e+00 : f32
        %max3A_429 = vector.broadcast %max3A_428 : f32 to vector<128x128xf32>
        %max3A_430 = arith.maximumf %sub3A_427, %max3A_429 : vector<128x128xf32>
        %sub3A_431 = arith.subf %min3A_426, %max3A_422 : vector<128x128xf32>
        %max3A_432 = arith.constant 0.000000e+00 : f32
        %max3A_433 = vector.broadcast %max3A_432 : f32 to vector<128x128xf32>
        %max3A_434 = arith.maximumf %sub3A_431, %max3A_433 : vector<128x128xf32>
        %mul3A_435 = arith.mulf %max3A_430, %max3A_434 : vector<128x128xf32>
        %add3A_436 = vector.broadcast %slice3A_418 : vector<1x128xf32> to vector<128x128xf32>
        %add3A_437 = arith.addf %broadcast_in_dim3A_193, %add3A_436 : vector<128x128xf32>
        %sub3A_438 = arith.subf %add3A_437, %mul3A_435 : vector<128x128xf32>
        %add3A_439 = arith.constant 9.99999971E-10 : f32
        %add3A_440 = vector.broadcast %add3A_439 : f32 to vector<128x128xf32>
        %add3A_441 = arith.addf %sub3A_438, %add3A_440 : vector<128x128xf32>
        %div3A_442 = arith.divf %mul3A_435, %add3A_441 : vector<128x128xf32>
        %reduce_max3A_443 = arith.constant dense<0xFF800000> : vector<128xf32>
        %reduce_max3A_444 = vector.multi_reduction <maximumf>, %div3A_442, %reduce_max3A_443 [0] : vector<128x128xf32> to vector<128xf32>
        %broadcast_in_dim3A_445 = vector.shape_cast %reduce_max3A_444 : vector<128xf32> to vector<1x128xf32>
        %slice3A_446 = vector.extract_strided_slice %get3A_243 {offsets = [6, 0], sizes = [1, 128], strides = [1, 1]} : vector<8x128xf32> to vector<1x128xf32>
        %slice3A_447 = vector.extract_strided_slice %get3A_246 {offsets = [6, 0], sizes = [1, 128], strides = [1, 1]} : vector<8x128xf32> to vector<1x128xf32>
        %slice3A_448 = vector.extract_strided_slice %get3A_249 {offsets = [6, 0], sizes = [1, 128], strides = [1, 1]} : vector<8x128xf32> to vector<1x128xf32>
        %slice3A_449 = vector.extract_strided_slice %get3A_252 {offsets = [6, 0], sizes = [1, 128], strides = [1, 1]} : vector<8x128xf32> to vector<1x128xf32>
        %slice3A_450 = vector.extract_strided_slice %get3A_255 {offsets = [6, 0], sizes = [1, 128], strides = [1, 1]} : vector<8x128xf32> to vector<1x128xf32>
        %max3A_451 = vector.broadcast %slice3A_446 : vector<1x128xf32> to vector<128x128xf32>
        %max3A_452 = arith.maximumf %broadcast_in_dim3A_161, %max3A_451 : vector<128x128xf32>
        %max3A_453 = vector.broadcast %slice3A_447 : vector<1x128xf32> to vector<128x128xf32>
        %max3A_454 = arith.maximumf %broadcast_in_dim3A_169, %max3A_453 : vector<128x128xf32>
        %min3A_455 = vector.broadcast %slice3A_448 : vector<1x128xf32> to vector<128x128xf32>
        %min3A_456 = arith.minimumf %broadcast_in_dim3A_177, %min3A_455 : vector<128x128xf32>
        %min3A_457 = vector.broadcast %slice3A_449 : vector<1x128xf32> to vector<128x128xf32>
        %min3A_458 = arith.minimumf %broadcast_in_dim3A_185, %min3A_457 : vector<128x128xf32>
        %sub3A_459 = arith.subf %min3A_456, %max3A_452 : vector<128x128xf32>
        %max3A_460 = arith.constant 0.000000e+00 : f32
        %max3A_461 = vector.broadcast %max3A_460 : f32 to vector<128x128xf32>
        %max3A_462 = arith.maximumf %sub3A_459, %max3A_461 : vector<128x128xf32>
        %sub3A_463 = arith.subf %min3A_458, %max3A_454 : vector<128x128xf32>
        %max3A_464 = arith.constant 0.000000e+00 : f32
        %max3A_465 = vector.broadcast %max3A_464 : f32 to vector<128x128xf32>
        %max3A_466 = arith.maximumf %sub3A_463, %max3A_465 : vector<128x128xf32>
        %mul3A_467 = arith.mulf %max3A_462, %max3A_466 : vector<128x128xf32>
        %add3A_468 = vector.broadcast %slice3A_450 : vector<1x128xf32> to vector<128x128xf32>
        %add3A_469 = arith.addf %broadcast_in_dim3A_193, %add3A_468 : vector<128x128xf32>
        %sub3A_470 = arith.subf %add3A_469, %mul3A_467 : vector<128x128xf32>
        %add3A_471 = arith.constant 9.99999971E-10 : f32
        %add3A_472 = vector.broadcast %add3A_471 : f32 to vector<128x128xf32>
        %add3A_473 = arith.addf %sub3A_470, %add3A_472 : vector<128x128xf32>
        %div3A_474 = arith.divf %mul3A_467, %add3A_473 : vector<128x128xf32>
        %reduce_max3A_475 = arith.constant dense<0xFF800000> : vector<128xf32>
        %reduce_max3A_476 = vector.multi_reduction <maximumf>, %div3A_474, %reduce_max3A_475 [0] : vector<128x128xf32> to vector<128xf32>
        %broadcast_in_dim3A_477 = vector.shape_cast %reduce_max3A_476 : vector<128xf32> to vector<1x128xf32>
        %slice3A_478 = vector.extract_strided_slice %get3A_243 {offsets = [7, 0], sizes = [1, 128], strides = [1, 1]} : vector<8x128xf32> to vector<1x128xf32>
        %slice3A_479 = vector.extract_strided_slice %get3A_246 {offsets = [7, 0], sizes = [1, 128], strides = [1, 1]} : vector<8x128xf32> to vector<1x128xf32>
        %slice3A_480 = vector.extract_strided_slice %get3A_249 {offsets = [7, 0], sizes = [1, 128], strides = [1, 1]} : vector<8x128xf32> to vector<1x128xf32>
        %slice3A_481 = vector.extract_strided_slice %get3A_252 {offsets = [7, 0], sizes = [1, 128], strides = [1, 1]} : vector<8x128xf32> to vector<1x128xf32>
        %slice3A_482 = vector.extract_strided_slice %get3A_255 {offsets = [7, 0], sizes = [1, 128], strides = [1, 1]} : vector<8x128xf32> to vector<1x128xf32>
        %max3A_483 = vector.broadcast %slice3A_478 : vector<1x128xf32> to vector<128x128xf32>
        %max3A_484 = arith.maximumf %broadcast_in_dim3A_161, %max3A_483 : vector<128x128xf32>
        %max3A_485 = vector.broadcast %slice3A_479 : vector<1x128xf32> to vector<128x128xf32>
        %max3A_486 = arith.maximumf %broadcast_in_dim3A_169, %max3A_485 : vector<128x128xf32>
        %min3A_487 = vector.broadcast %slice3A_480 : vector<1x128xf32> to vector<128x128xf32>
        %min3A_488 = arith.minimumf %broadcast_in_dim3A_177, %min3A_487 : vector<128x128xf32>
        %min3A_489 = vector.broadcast %slice3A_481 : vector<1x128xf32> to vector<128x128xf32>
        %min3A_490 = arith.minimumf %broadcast_in_dim3A_185, %min3A_489 : vector<128x128xf32>
        %sub3A_491 = arith.subf %min3A_488, %max3A_484 : vector<128x128xf32>
        %max3A_492 = arith.constant 0.000000e+00 : f32
        %max3A_493 = vector.broadcast %max3A_492 : f32 to vector<128x128xf32>
        %max3A_494 = arith.maximumf %sub3A_491, %max3A_493 : vector<128x128xf32>
        %sub3A_495 = arith.subf %min3A_490, %max3A_486 : vector<128x128xf32>
        %max3A_496 = arith.constant 0.000000e+00 : f32
        %max3A_497 = vector.broadcast %max3A_496 : f32 to vector<128x128xf32>
        %max3A_498 = arith.maximumf %sub3A_495, %max3A_497 : vector<128x128xf32>
        %mul3A_499 = arith.mulf %max3A_494, %max3A_498 : vector<128x128xf32>
        %add3A_500 = vector.broadcast %slice3A_482 : vector<1x128xf32> to vector<128x128xf32>
        %add3A_501 = arith.addf %broadcast_in_dim3A_193, %add3A_500 : vector<128x128xf32>
        %sub3A_502 = arith.subf %add3A_501, %mul3A_499 : vector<128x128xf32>
        %add3A_503 = arith.constant 9.99999971E-10 : f32
        %add3A_504 = vector.broadcast %add3A_503 : f32 to vector<128x128xf32>
        %add3A_505 = arith.addf %sub3A_502, %add3A_504 : vector<128x128xf32>
        %div3A_506 = arith.divf %mul3A_499, %add3A_505 : vector<128x128xf32>
        %reduce_max3A_507 = arith.constant dense<0xFF800000> : vector<128xf32>
        %reduce_max3A_508 = vector.multi_reduction <maximumf>, %div3A_506, %reduce_max3A_507 [0] : vector<128x128xf32> to vector<128xf32>
        %broadcast_in_dim3A_509 = vector.shape_cast %reduce_max3A_508 : vector<128xf32> to vector<1x128xf32>
        %concatenate3A = tpu.concatenate %broadcast_in_dim3A_285, %broadcast_in_dim3A_317, %broadcast_in_dim3A_349, %broadcast_in_dim3A_381, %broadcast_in_dim3A_413, %broadcast_in_dim3A_445, %broadcast_in_dim3A_477, %broadcast_in_dim3A_509 in 0 : vector<1x128xf32>, vector<1x128xf32>, vector<1x128xf32>, vector<1x128xf32>, vector<1x128xf32>, vector<1x128xf32>, vector<1x128xf32>, vector<1x128xf32> -> vector<8x128xf32>
        %get3A_510 = arith.index_cast %add3A_240 : i32 to index
        %get3A_511 = arith.constant 0 : index
        %get3A_512 = vector.load %arg1[%get3A_510, %get3A_511] : memref<48x128xf32, #tpu.memory_space<vmem>>, vector<8x128xf32>
        %le3A = arith.constant 5.000000e-01 : f32
        %le3A_513 = vector.broadcast %le3A : f32 to vector<8x128xf32>
        %le3A_514 = arith.cmpf ole, %concatenate3A, %le3A_513 : vector<8x128xf32>
        %convert_element_type3A_515 = arith.extui %le3A_514 : vector<8x128xi1> to vector<8x128xi32>
        %convert_element_type3A_516 = arith.sitofp %convert_element_type3A_515 : vector<8x128xi32> to vector<8x128xf32>
        %mul3A_517 = arith.mulf %get3A_512, %convert_element_type3A_516 : vector<8x128xf32>
        %swap3A_518 = arith.index_cast %add3A_240 : i32 to index
        %swap3A_519 = arith.constant 0 : index
        %swap3A_520 = vector.load %arg1[%swap3A_518, %swap3A_519] : memref<48x128xf32, #tpu.memory_space<vmem>>, vector<8x128xf32>
        tpu.vector_store %arg1[%swap3A_518, %swap3A_519], %mul3A_517 {strides = array<i32>} : memref<48x128xf32, #tpu.memory_space<vmem>>, vector<8x128xf32>,
        %while3A_521 = arith.constant 0 : i32
        scf.yield %while3A_521 : i32
      }
      %while3A_232 = arith.constant 1 : i32
      %while3A_233 = scf.for %while3A_234 = %while3A_229 to %while3A_225 step %while3A_232 iter_args(%while3A_235 = %while3A_231) -> (i32)  : i32 {
        %add3A_236 = arith.constant 1 : i32
        %add3A_237 = arith.addi %scan3A_61, %add3A_236 : i32
        %mul3A_238 = arith.constant 8 : i32
        %mul3A_239 = arith.muli %while3A_234, %mul3A_238 : i32
        %add3A_240 = arith.addi %add3A_237, %mul3A_239 : i32
        %get3A_241 = arith.index_cast %add3A_240 : i32 to index
        %get3A_242 = arith.constant 0 : index
        %get3A_243 = vector.load %arg2[%get3A_241, %get3A_242] : memref<48x128xf32, #tpu.memory_space<vmem>>, vector<8x128xf32>
        %get3A_244 = arith.index_cast %add3A_240 : i32 to index
        %get3A_245 = arith.constant 0 : index
        %get3A_246 = vector.load %arg3[%get3A_244, %get3A_245] : memref<48x128xf32, #tpu.memory_space<vmem>>, vector<8x128xf32>
        %get3A_247 = arith.index_cast %add3A_240 : i32 to index
        %get3A_248 = arith.constant 0 : index
        %get3A_249 = vector.load %arg4[%get3A_247, %get3A_248] : memref<48x128xf32, #tpu.memory_space<vmem>>, vector<8x128xf32>
        %get3A_250 = arith.index_cast %add3A_240 : i32 to index
        %get3A_251 = arith.constant 0 : index
        %get3A_252 = vector.load %arg5[%get3A_250, %get3A_251] : memref<48x128xf32, #tpu.memory_space<vmem>>, vector<8x128xf32>
        %get3A_253 = arith.index_cast %add3A_240 : i32 to index
        %get3A_254 = arith.constant 0 : index
        %get3A_255 = vector.load %arg7[%get3A_253, %get3A_254] : memref<48x128xf32, #tpu.memory_space<vmem>>, vector<8x128xf32>
        %slice3A = vector.extract_strided_slice %get3A_243 {offsets = [0, 0], sizes = [1, 128], strides = [1, 1]} : vector<8x128xf32> to vector<1x128xf32>
        %slice3A_256 = vector.extract_strided_slice %get3A_246 {offsets = [0, 0], sizes = [1, 128], strides = [1, 1]} : vector<8x128xf32> to vector<1x128xf32>
        %slice3A_257 = vector.extract_strided_slice %get3A_249 {offsets = [0, 0], sizes = [1, 128], strides = [1, 1]} : vector<8x128xf32> to vector<1x128xf32>
        %slice3A_258 = vector.extract_strided_slice %get3A_252 {offsets = [0, 0], sizes = [1, 128], strides = [1, 1]} : vector<8x128xf32> to vector<1x128xf32>
        %slice3A_259 = vector.extract_strided_slice %get3A_255 {offsets = [0, 0], sizes = [1, 128], strides = [1, 1]} : vector<8x128xf32> to vector<1x128xf32>
        %max3A_260 = vector.broadcast %slice3A : vector<1x128xf32> to vector<128x128xf32>
        %max3A_261 = arith.maximumf %broadcast_in_dim3A_161, %max3A_260 : vector<128x128xf32>
        %max3A_262 = vector.broadcast %slice3A_256 : vector<1x128xf32> to vector<128x128xf32>
        %max3A_263 = arith.maximumf %broadcast_in_dim3A_169, %max3A_262 : vector<128x128xf32>
        %min3A_264 = vector.broadcast %slice3A_257 : vector<1x128xf32> to vector<128x128xf32>
        %min3A_265 = arith.minimumf %broadcast_in_dim3A_177, %min3A_264 : vector<128x128xf32>
        %min3A_266 = vector.broadcast %slice3A_258 : vector<1x128xf32> to vector<128x128xf32>
        %min3A_267 = arith.minimumf %broadcast_in_dim3A_185, %min3A_266 : vector<128x128xf32>
        %sub3A_268 = arith.subf %min3A_265, %max3A_261 : vector<128x128xf32>
        %max3A_269 = arith.constant 0.000000e+00 : f32
        %max3A_270 = vector.broadcast %max3A_269 : f32 to vector<128x128xf32>
        %max3A_271 = arith.maximumf %sub3A_268, %max3A_270 : vector<128x128xf32>
        %sub3A_272 = arith.subf %min3A_267, %max3A_263 : vector<128x128xf32>
        %max3A_273 = arith.constant 0.000000e+00 : f32
        %max3A_274 = vector.broadcast %max3A_273 : f32 to vector<128x128xf32>
        %max3A_275 = arith.maximumf %sub3A_272, %max3A_274 : vector<128x128xf32>
        %mul3A_276 = arith.mulf %max3A_271, %max3A_275 : vector<128x128xf32>
        %add3A_277 = vector.broadcast %slice3A_259 : vector<1x128xf32> to vector<128x128xf32>
        %add3A_278 = arith.addf %broadcast_in_dim3A_193, %add3A_277 : vector<128x128xf32>
        %sub3A_279 = arith.subf %add3A_278, %mul3A_276 : vector<128x128xf32>
        %add3A_280 = arith.constant 9.99999971E-10 : f32
        %add3A_281 = vector.broadcast %add3A_280 : f32 to vector<128x128xf32>
        %add3A_282 = arith.addf %sub3A_279, %add3A_281 : vector<128x128xf32>
        %div3A_283 = arith.divf %mul3A_276, %add3A_282 : vector<128x128xf32>
        %reduce_max3A = arith.constant dense<0xFF800000> : vector<128xf32>
        %reduce_max3A_284 = vector.multi_reduction <maximumf>, %div3A_283, %reduce_max3A [0] : vector<128x128xf32> to vector<128xf32>
        %broadcast_in_dim3A_285 = vector.shape_cast %reduce_max3A_284 : vector<128xf32> to vector<1x128xf32>
        %slice3A_286 = vector.extract_strided_slice %get3A_243 {offsets = [1, 0], sizes = [1, 128], strides = [1, 1]} : vector<8x128xf32> to vector<1x128xf32>
        %slice3A_287 = vector.extract_strided_slice %get3A_246 {offsets = [1, 0], sizes = [1, 128], strides = [1, 1]} : vector<8x128xf32> to vector<1x128xf32>
        %slice3A_288 = vector.extract_strided_slice %get3A_249 {offsets = [1, 0], sizes = [1, 128], strides = [1, 1]} : vector<8x128xf32> to vector<1x128xf32>
        %slice3A_289 = vector.extract_strided_slice %get3A_252 {offsets = [1, 0], sizes = [1, 128], strides = [1, 1]} : vector<8x128xf32> to vector<1x128xf32>
        %slice3A_290 = vector.extract_strided_slice %get3A_255 {offsets = [1, 0], sizes = [1, 128], strides = [1, 1]} : vector<8x128xf32> to vector<1x128xf32>
        %max3A_291 = vector.broadcast %slice3A_286 : vector<1x128xf32> to vector<128x128xf32>
        %max3A_292 = arith.maximumf %broadcast_in_dim3A_161, %max3A_291 : vector<128x128xf32>
        %max3A_293 = vector.broadcast %slice3A_287 : vector<1x128xf32> to vector<128x128xf32>
        %max3A_294 = arith.maximumf %broadcast_in_dim3A_169, %max3A_293 : vector<128x128xf32>
        %min3A_295 = vector.broadcast %slice3A_288 : vector<1x128xf32> to vector<128x128xf32>
        %min3A_296 = arith.minimumf %broadcast_in_dim3A_177, %min3A_295 : vector<128x128xf32>
        %min3A_297 = vector.broadcast %slice3A_289 : vector<1x128xf32> to vector<128x128xf32>
        %min3A_298 = arith.minimumf %broadcast_in_dim3A_185, %min3A_297 : vector<128x128xf32>
        %sub3A_299 = arith.subf %min3A_296, %max3A_292 : vector<128x128xf32>
        %max3A_300 = arith.constant 0.000000e+00 : f32
        %max3A_301 = vector.broadcast %max3A_300 : f32 to vector<128x128xf32>
        %max3A_302 = arith.maximumf %sub3A_299, %max3A_301 : vector<128x128xf32>
        %sub3A_303 = arith.subf %min3A_298, %max3A_294 : vector<128x128xf32>
        %max3A_304 = arith.constant 0.000000e+00 : f32
        %max3A_305 = vector.broadcast %max3A_304 : f32 to vector<128x128xf32>
        %max3A_306 = arith.maximumf %sub3A_303, %max3A_305 : vector<128x128xf32>
        %mul3A_307 = arith.mulf %max3A_302, %max3A_306 : vector<128x128xf32>
        %add3A_308 = vector.broadcast %slice3A_290 : vector<1x128xf32> to vector<128x128xf32>
        %add3A_309 = arith.addf %broadcast_in_dim3A_193, %add3A_308 : vector<128x128xf32>
        %sub3A_310 = arith.subf %add3A_309, %mul3A_307 : vector<128x128xf32>
        %add3A_311 = arith.constant 9.99999971E-10 : f32
        %add3A_312 = vector.broadcast %add3A_311 : f32 to vector<128x128xf32>
        %add3A_313 = arith.addf %sub3A_310, %add3A_312 : vector<128x128xf32>
        %div3A_314 = arith.divf %mul3A_307, %add3A_313 : vector<128x128xf32>
        %reduce_max3A_315 = arith.constant dense<0xFF800000> : vector<128xf32>
        %reduce_max3A_316 = vector.multi_reduction <maximumf>, %div3A_314, %reduce_max3A_315 [0] : vector<128x128xf32> to vector<128xf32>
        %broadcast_in_dim3A_317 = vector.shape_cast %reduce_max3A_316 : vector<128xf32> to vector<1x128xf32>
        %slice3A_318 = vector.extract_strided_slice %get3A_243 {offsets = [2, 0], sizes = [1, 128], strides = [1, 1]} : vector<8x128xf32> to vector<1x128xf32>
        %slice3A_319 = vector.extract_strided_slice %get3A_246 {offsets = [2, 0], sizes = [1, 128], strides = [1, 1]} : vector<8x128xf32> to vector<1x128xf32>
        %slice3A_320 = vector.extract_strided_slice %get3A_249 {offsets = [2, 0], sizes = [1, 128], strides = [1, 1]} : vector<8x128xf32> to vector<1x128xf32>
        %slice3A_321 = vector.extract_strided_slice %get3A_252 {offsets = [2, 0], sizes = [1, 128], strides = [1, 1]} : vector<8x128xf32> to vector<1x128xf32>
        %slice3A_322 = vector.extract_strided_slice %get3A_255 {offsets = [2, 0], sizes = [1, 128], strides = [1, 1]} : vector<8x128xf32> to vector<1x128xf32>
        %max3A_323 = vector.broadcast %slice3A_318 : vector<1x128xf32> to vector<128x128xf32>
        %max3A_324 = arith.maximumf %broadcast_in_dim3A_161, %max3A_323 : vector<128x128xf32>
        %max3A_325 = vector.broadcast %slice3A_319 : vector<1x128xf32> to vector<128x128xf32>
        %max3A_326 = arith.maximumf %broadcast_in_dim3A_169, %max3A_325 : vector<128x128xf32>
        %min3A_327 = vector.broadcast %slice3A_320 : vector<1x128xf32> to vector<128x128xf32>
        %min3A_328 = arith.minimumf %broadcast_in_dim3A_177, %min3A_327 : vector<128x128xf32>
        %min3A_329 = vector.broadcast %slice3A_321 : vector<1x128xf32> to vector<128x128xf32>
        %min3A_330 = arith.minimumf %broadcast_in_dim3A_185, %min3A_329 : vector<128x128xf32>
        %sub3A_331 = arith.subf %min3A_328, %max3A_324 : vector<128x128xf32>
        %max3A_332 = arith.constant 0.000000e+00 : f32
        %max3A_333 = vector.broadcast %max3A_332 : f32 to vector<128x128xf32>
        %max3A_334 = arith.maximumf %sub3A_331, %max3A_333 : vector<128x128xf32>
        %sub3A_335 = arith.subf %min3A_330, %max3A_326 : vector<128x128xf32>
        %max3A_336 = arith.constant 0.000000e+00 : f32
        %max3A_337 = vector.broadcast %max3A_336 : f32 to vector<128x128xf32>
        %max3A_338 = arith.maximumf %sub3A_335, %max3A_337 : vector<128x128xf32>
        %mul3A_339 = arith.mulf %max3A_334, %max3A_338 : vector<128x128xf32>
        %add3A_340 = vector.broadcast %slice3A_322 : vector<1x128xf32> to vector<128x128xf32>
        %add3A_341 = arith.addf %broadcast_in_dim3A_193, %add3A_340 : vector<128x128xf32>
        %sub3A_342 = arith.subf %add3A_341, %mul3A_339 : vector<128x128xf32>
        %add3A_343 = arith.constant 9.99999971E-10 : f32
        %add3A_344 = vector.broadcast %add3A_343 : f32 to vector<128x128xf32>
        %add3A_345 = arith.addf %sub3A_342, %add3A_344 : vector<128x128xf32>
        %div3A_346 = arith.divf %mul3A_339, %add3A_345 : vector<128x128xf32>
        %reduce_max3A_347 = arith.constant dense<0xFF800000> : vector<128xf32>
        %reduce_max3A_348 = vector.multi_reduction <maximumf>, %div3A_346, %reduce_max3A_347 [0] : vector<128x128xf32> to vector<128xf32>
        %broadcast_in_dim3A_349 = vector.shape_cast %reduce_max3A_348 : vector<128xf32> to vector<1x128xf32>
        %slice3A_350 = vector.extract_strided_slice %get3A_243 {offsets = [3, 0], sizes = [1, 128], strides = [1, 1]} : vector<8x128xf32> to vector<1x128xf32>
        %slice3A_351 = vector.extract_strided_slice %get3A_246 {offsets = [3, 0], sizes = [1, 128], strides = [1, 1]} : vector<8x128xf32> to vector<1x128xf32>
        %slice3A_352 = vector.extract_strided_slice %get3A_249 {offsets = [3, 0], sizes = [1, 128], strides = [1, 1]} : vector<8x128xf32> to vector<1x128xf32>
        %slice3A_353 = vector.extract_strided_slice %get3A_252 {offsets = [3, 0], sizes = [1, 128], strides = [1, 1]} : vector<8x128xf32> to vector<1x128xf32>
        %slice3A_354 = vector.extract_strided_slice %get3A_255 {offsets = [3, 0], sizes = [1, 128], strides = [1, 1]} : vector<8x128xf32> to vector<1x128xf32>
        %max3A_355 = vector.broadcast %slice3A_350 : vector<1x128xf32> to vector<128x128xf32>
        %max3A_356 = arith.maximumf %broadcast_in_dim3A_161, %max3A_355 : vector<128x128xf32>
        %max3A_357 = vector.broadcast %slice3A_351 : vector<1x128xf32> to vector<128x128xf32>
        %max3A_358 = arith.maximumf %broadcast_in_dim3A_169, %max3A_357 : vector<128x128xf32>
        %min3A_359 = vector.broadcast %slice3A_352 : vector<1x128xf32> to vector<128x128xf32>
        %min3A_360 = arith.minimumf %broadcast_in_dim3A_177, %min3A_359 : vector<128x128xf32>
        %min3A_361 = vector.broadcast %slice3A_353 : vector<1x128xf32> to vector<128x128xf32>
        %min3A_362 = arith.minimumf %broadcast_in_dim3A_185, %min3A_361 : vector<128x128xf32>
        %sub3A_363 = arith.subf %min3A_360, %max3A_356 : vector<128x128xf32>
        %max3A_364 = arith.constant 0.000000e+00 : f32
        %max3A_365 = vector.broadcast %max3A_364 : f32 to vector<128x128xf32>
        %max3A_366 = arith.maximumf %sub3A_363, %max3A_365 : vector<128x128xf32>
        %sub3A_367 = arith.subf %min3A_362, %max3A_358 : vector<128x128xf32>
        %max3A_368 = arith.constant 0.000000e+00 : f32
        %max3A_369 = vector.broadcast %max3A_368 : f32 to vector<128x128xf32>
        %max3A_370 = arith.maximumf %sub3A_367, %max3A_369 : vector<128x128xf32>
        %mul3A_371 = arith.mulf %max3A_366, %max3A_370 : vector<128x128xf32>
        %add3A_372 = vector.broadcast %slice3A_354 : vector<1x128xf32> to vector<128x128xf32>
        %add3A_373 = arith.addf %broadcast_in_dim3A_193, %add3A_372 : vector<128x128xf32>
        %sub3A_374 = arith.subf %add3A_373, %mul3A_371 : vector<128x128xf32>
        %add3A_375 = arith.constant 9.99999971E-10 : f32
        %add3A_376 = vector.broadcast %add3A_375 : f32 to vector<128x128xf32>
        %add3A_377 = arith.addf %sub3A_374, %add3A_376 : vector<128x128xf32>
        %div3A_378 = arith.divf %mul3A_371, %add3A_377 : vector<128x128xf32>
        %reduce_max3A_379 = arith.constant dense<0xFF800000> : vector<128xf32>
        %reduce_max3A_380 = vector.multi_reduction <maximumf>, %div3A_378, %reduce_max3A_379 [0] : vector<128x128xf32> to vector<128xf32>
        %broadcast_in_dim3A_381 = vector.shape_cast %reduce_max3A_380 : vector<128xf32> to vector<1x128xf32>
        %slice3A_382 = vector.extract_strided_slice %get3A_243 {offsets = [4, 0], sizes = [1, 128], strides = [1, 1]} : vector<8x128xf32> to vector<1x128xf32>
        %slice3A_383 = vector.extract_strided_slice %get3A_246 {offsets = [4, 0], sizes = [1, 128], strides = [1, 1]} : vector<8x128xf32> to vector<1x128xf32>
        %slice3A_384 = vector.extract_strided_slice %get3A_249 {offsets = [4, 0], sizes = [1, 128], strides = [1, 1]} : vector<8x128xf32> to vector<1x128xf32>
        %slice3A_385 = vector.extract_strided_slice %get3A_252 {offsets = [4, 0], sizes = [1, 128], strides = [1, 1]} : vector<8x128xf32> to vector<1x128xf32>
        %slice3A_386 = vector.extract_strided_slice %get3A_255 {offsets = [4, 0], sizes = [1, 128], strides = [1, 1]} : vector<8x128xf32> to vector<1x128xf32>
        %max3A_387 = vector.broadcast %slice3A_382 : vector<1x128xf32> to vector<128x128xf32>
        %max3A_388 = arith.maximumf %broadcast_in_dim3A_161, %max3A_387 : vector<128x128xf32>
        %max3A_389 = vector.broadcast %slice3A_383 : vector<1x128xf32> to vector<128x128xf32>
        %max3A_390 = arith.maximumf %broadcast_in_dim3A_169, %max3A_389 : vector<128x128xf32>
        %min3A_391 = vector.broadcast %slice3A_384 : vector<1x128xf32> to vector<128x128xf32>
        %min3A_392 = arith.minimumf %broadcast_in_dim3A_177, %min3A_391 : vector<128x128xf32>
        %min3A_393 = vector.broadcast %slice3A_385 : vector<1x128xf32> to vector<128x128xf32>
        %min3A_394 = arith.minimumf %broadcast_in_dim3A_185, %min3A_393 : vector<128x128xf32>
        %sub3A_395 = arith.subf %min3A_392, %max3A_388 : vector<128x128xf32>
        %max3A_396 = arith.constant 0.000000e+00 : f32
        %max3A_397 = vector.broadcast %max3A_396 : f32 to vector<128x128xf32>
        %max3A_398 = arith.maximumf %sub3A_395, %max3A_397 : vector<128x128xf32>
        %sub3A_399 = arith.subf %min3A_394, %max3A_390 : vector<128x128xf32>
        %max3A_400 = arith.constant 0.000000e+00 : f32
        %max3A_401 = vector.broadcast %max3A_400 : f32 to vector<128x128xf32>
        %max3A_402 = arith.maximumf %sub3A_399, %max3A_401 : vector<128x128xf32>
        %mul3A_403 = arith.mulf %max3A_398, %max3A_402 : vector<128x128xf32>
        %add3A_404 = vector.broadcast %slice3A_386 : vector<1x128xf32> to vector<128x128xf32>
        %add3A_405 = arith.addf %broadcast_in_dim3A_193, %add3A_404 : vector<128x128xf32>
        %sub3A_406 = arith.subf %add3A_405, %mul3A_403 : vector<128x128xf32>
        %add3A_407 = arith.constant 9.99999971E-10 : f32
        %add3A_408 = vector.broadcast %add3A_407 : f32 to vector<128x128xf32>
        %add3A_409 = arith.addf %sub3A_406, %add3A_408 : vector<128x128xf32>
        %div3A_410 = arith.divf %mul3A_403, %add3A_409 : vector<128x128xf32>
        %reduce_max3A_411 = arith.constant dense<0xFF800000> : vector<128xf32>
        %reduce_max3A_412 = vector.multi_reduction <maximumf>, %div3A_410, %reduce_max3A_411 [0] : vector<128x128xf32> to vector<128xf32>
        %broadcast_in_dim3A_413 = vector.shape_cast %reduce_max3A_412 : vector<128xf32> to vector<1x128xf32>
        %slice3A_414 = vector.extract_strided_slice %get3A_243 {offsets = [5, 0], sizes = [1, 128], strides = [1, 1]} : vector<8x128xf32> to vector<1x128xf32>
        %slice3A_415 = vector.extract_strided_slice %get3A_246 {offsets = [5, 0], sizes = [1, 128], strides = [1, 1]} : vector<8x128xf32> to vector<1x128xf32>
        %slice3A_416 = vector.extract_strided_slice %get3A_249 {offsets = [5, 0], sizes = [1, 128], strides = [1, 1]} : vector<8x128xf32> to vector<1x128xf32>
        %slice3A_417 = vector.extract_strided_slice %get3A_252 {offsets = [5, 0], sizes = [1, 128], strides = [1, 1]} : vector<8x128xf32> to vector<1x128xf32>
        %slice3A_418 = vector.extract_strided_slice %get3A_255 {offsets = [5, 0], sizes = [1, 128], strides = [1, 1]} : vector<8x128xf32> to vector<1x128xf32>
        %max3A_419 = vector.broadcast %slice3A_414 : vector<1x128xf32> to vector<128x128xf32>
        %max3A_420 = arith.maximumf %broadcast_in_dim3A_161, %max3A_419 : vector<128x128xf32>
        %max3A_421 = vector.broadcast %slice3A_415 : vector<1x128xf32> to vector<128x128xf32>
        %max3A_422 = arith.maximumf %broadcast_in_dim3A_169, %max3A_421 : vector<128x128xf32>
        %min3A_423 = vector.broadcast %slice3A_416 : vector<1x128xf32> to vector<128x128xf32>
        %min3A_424 = arith.minimumf %broadcast_in_dim3A_177, %min3A_423 : vector<128x128xf32>
        %min3A_425 = vector.broadcast %slice3A_417 : vector<1x128xf32> to vector<128x128xf32>
        %min3A_426 = arith.minimumf %broadcast_in_dim3A_185, %min3A_425 : vector<128x128xf32>
        %sub3A_427 = arith.subf %min3A_424, %max3A_420 : vector<128x128xf32>
        %max3A_428 = arith.constant 0.000000e+00 : f32
        %max3A_429 = vector.broadcast %max3A_428 : f32 to vector<128x128xf32>
        %max3A_430 = arith.maximumf %sub3A_427, %max3A_429 : vector<128x128xf32>
        %sub3A_431 = arith.subf %min3A_426, %max3A_422 : vector<128x128xf32>
        %max3A_432 = arith.constant 0.000000e+00 : f32
        %max3A_433 = vector.broadcast %max3A_432 : f32 to vector<128x128xf32>
        %max3A_434 = arith.maximumf %sub3A_431, %max3A_433 : vector<128x128xf32>
        %mul3A_435 = arith.mulf %max3A_430, %max3A_434 : vector<128x128xf32>
        %add3A_436 = vector.broadcast %slice3A_418 : vector<1x128xf32> to vector<128x128xf32>
        %add3A_437 = arith.addf %broadcast_in_dim3A_193, %add3A_436 : vector<128x128xf32>
        %sub3A_438 = arith.subf %add3A_437, %mul3A_435 : vector<128x128xf32>
        %add3A_439 = arith.constant 9.99999971E-10 : f32
        %add3A_440 = vector.broadcast %add3A_439 : f32 to vector<128x128xf32>
        %add3A_441 = arith.addf %sub3A_438, %add3A_440 : vector<128x128xf32>
        %div3A_442 = arith.divf %mul3A_435, %add3A_441 : vector<128x128xf32>
        %reduce_max3A_443 = arith.constant dense<0xFF800000> : vector<128xf32>
        %reduce_max3A_444 = vector.multi_reduction <maximumf>, %div3A_442, %reduce_max3A_443 [0] : vector<128x128xf32> to vector<128xf32>
        %broadcast_in_dim3A_445 = vector.shape_cast %reduce_max3A_444 : vector<128xf32> to vector<1x128xf32>
        %slice3A_446 = vector.extract_strided_slice %get3A_243 {offsets = [6, 0], sizes = [1, 128], strides = [1, 1]} : vector<8x128xf32> to vector<1x128xf32>
        %slice3A_447 = vector.extract_strided_slice %get3A_246 {offsets = [6, 0], sizes = [1, 128], strides = [1, 1]} : vector<8x128xf32> to vector<1x128xf32>
        %slice3A_448 = vector.extract_strided_slice %get3A_249 {offsets = [6, 0], sizes = [1, 128], strides = [1, 1]} : vector<8x128xf32> to vector<1x128xf32>
        %slice3A_449 = vector.extract_strided_slice %get3A_252 {offsets = [6, 0], sizes = [1, 128], strides = [1, 1]} : vector<8x128xf32> to vector<1x128xf32>
        %slice3A_450 = vector.extract_strided_slice %get3A_255 {offsets = [6, 0], sizes = [1, 128], strides = [1, 1]} : vector<8x128xf32> to vector<1x128xf32>
        %max3A_451 = vector.broadcast %slice3A_446 : vector<1x128xf32> to vector<128x128xf32>
        %max3A_452 = arith.maximumf %broadcast_in_dim3A_161, %max3A_451 : vector<128x128xf32>
        %max3A_453 = vector.broadcast %slice3A_447 : vector<1x128xf32> to vector<128x128xf32>
        %max3A_454 = arith.maximumf %broadcast_in_dim3A_169, %max3A_453 : vector<128x128xf32>
        %min3A_455 = vector.broadcast %slice3A_448 : vector<1x128xf32> to vector<128x128xf32>
        %min3A_456 = arith.minimumf %broadcast_in_dim3A_177, %min3A_455 : vector<128x128xf32>
        %min3A_457 = vector.broadcast %slice3A_449 : vector<1x128xf32> to vector<128x128xf32>
        %min3A_458 = arith.minimumf %broadcast_in_dim3A_185, %min3A_457 : vector<128x128xf32>
        %sub3A_459 = arith.subf %min3A_456, %max3A_452 : vector<128x128xf32>
        %max3A_460 = arith.constant 0.000000e+00 : f32
        %max3A_461 = vector.broadcast %max3A_460 : f32 to vector<128x128xf32>
        %max3A_462 = arith.maximumf %sub3A_459, %max3A_461 : vector<128x128xf32>
        %sub3A_463 = arith.subf %min3A_458, %max3A_454 : vector<128x128xf32>
        %max3A_464 = arith.constant 0.000000e+00 : f32
        %max3A_465 = vector.broadcast %max3A_464 : f32 to vector<128x128xf32>
        %max3A_466 = arith.maximumf %sub3A_463, %max3A_465 : vector<128x128xf32>
        %mul3A_467 = arith.mulf %max3A_462, %max3A_466 : vector<128x128xf32>
        %add3A_468 = vector.broadcast %slice3A_450 : vector<1x128xf32> to vector<128x128xf32>
        %add3A_469 = arith.addf %broadcast_in_dim3A_193, %add3A_468 : vector<128x128xf32>
        %sub3A_470 = arith.subf %add3A_469, %mul3A_467 : vector<128x128xf32>
        %add3A_471 = arith.constant 9.99999971E-10 : f32
        %add3A_472 = vector.broadcast %add3A_471 : f32 to vector<128x128xf32>
        %add3A_473 = arith.addf %sub3A_470, %add3A_472 : vector<128x128xf32>
        %div3A_474 = arith.divf %mul3A_467, %add3A_473 : vector<128x128xf32>
        %reduce_max3A_475 = arith.constant dense<0xFF800000> : vector<128xf32>
        %reduce_max3A_476 = vector.multi_reduction <maximumf>, %div3A_474, %reduce_max3A_475 [0] : vector<128x128xf32> to vector<128xf32>
        %broadcast_in_dim3A_477 = vector.shape_cast %reduce_max3A_476 : vector<128xf32> to vector<1x128xf32>
        %slice3A_478 = vector.extract_strided_slice %get3A_243 {offsets = [7, 0], sizes = [1, 128], strides = [1, 1]} : vector<8x128xf32> to vector<1x128xf32>
        %slice3A_479 = vector.extract_strided_slice %get3A_246 {offsets = [7, 0], sizes = [1, 128], strides = [1, 1]} : vector<8x128xf32> to vector<1x128xf32>
        %slice3A_480 = vector.extract_strided_slice %get3A_249 {offsets = [7, 0], sizes = [1, 128], strides = [1, 1]} : vector<8x128xf32> to vector<1x128xf32>
        %slice3A_481 = vector.extract_strided_slice %get3A_252 {offsets = [7, 0], sizes = [1, 128], strides = [1, 1]} : vector<8x128xf32> to vector<1x128xf32>
        %slice3A_482 = vector.extract_strided_slice %get3A_255 {offsets = [7, 0], sizes = [1, 128], strides = [1, 1]} : vector<8x128xf32> to vector<1x128xf32>
        %max3A_483 = vector.broadcast %slice3A_478 : vector<1x128xf32> to vector<128x128xf32>
        %max3A_484 = arith.maximumf %broadcast_in_dim3A_161, %max3A_483 : vector<128x128xf32>
        %max3A_485 = vector.broadcast %slice3A_479 : vector<1x128xf32> to vector<128x128xf32>
        %max3A_486 = arith.maximumf %broadcast_in_dim3A_169, %max3A_485 : vector<128x128xf32>
        %min3A_487 = vector.broadcast %slice3A_480 : vector<1x128xf32> to vector<128x128xf32>
        %min3A_488 = arith.minimumf %broadcast_in_dim3A_177, %min3A_487 : vector<128x128xf32>
        %min3A_489 = vector.broadcast %slice3A_481 : vector<1x128xf32> to vector<128x128xf32>
        %min3A_490 = arith.minimumf %broadcast_in_dim3A_185, %min3A_489 : vector<128x128xf32>
        %sub3A_491 = arith.subf %min3A_488, %max3A_484 : vector<128x128xf32>
        %max3A_492 = arith.constant 0.000000e+00 : f32
        %max3A_493 = vector.broadcast %max3A_492 : f32 to vector<128x128xf32>
        %max3A_494 = arith.maximumf %sub3A_491, %max3A_493 : vector<128x128xf32>
        %sub3A_495 = arith.subf %min3A_490, %max3A_486 : vector<128x128xf32>
        %max3A_496 = arith.constant 0.000000e+00 : f32
        %max3A_497 = vector.broadcast %max3A_496 : f32 to vector<128x128xf32>
        %max3A_498 = arith.maximumf %sub3A_495, %max3A_497 : vector<128x128xf32>
        %mul3A_499 = arith.mulf %max3A_494, %max3A_498 : vector<128x128xf32>
        %add3A_500 = vector.broadcast %slice3A_482 : vector<1x128xf32> to vector<128x128xf32>
        %add3A_501 = arith.addf %broadcast_in_dim3A_193, %add3A_500 : vector<128x128xf32>
        %sub3A_502 = arith.subf %add3A_501, %mul3A_499 : vector<128x128xf32>
        %add3A_503 = arith.constant 9.99999971E-10 : f32
        %add3A_504 = vector.broadcast %add3A_503 : f32 to vector<128x128xf32>
        %add3A_505 = arith.addf %sub3A_502, %add3A_504 : vector<128x128xf32>
        %div3A_506 = arith.divf %mul3A_499, %add3A_505 : vector<128x128xf32>
        %reduce_max3A_507 = arith.constant dense<0xFF800000> : vector<128xf32>
        %reduce_max3A_508 = vector.multi_reduction <maximumf>, %div3A_506, %reduce_max3A_507 [0] : vector<128x128xf32> to vector<128xf32>
        %broadcast_in_dim3A_509 = vector.shape_cast %reduce_max3A_508 : vector<128xf32> to vector<1x128xf32>
        %concatenate3A = tpu.concatenate %broadcast_in_dim3A_285, %broadcast_in_dim3A_317, %broadcast_in_dim3A_349, %broadcast_in_dim3A_381, %broadcast_in_dim3A_413, %broadcast_in_dim3A_445, %broadcast_in_dim3A_477, %broadcast_in_dim3A_509 in 0 : vector<1x128xf32>, vector<1x128xf32>, vector<1x128xf32>, vector<1x128xf32>, vector<1x128xf32>, vector<1x128xf32>, vector<1x128xf32>, vector<1x128xf32> -> vector<8x128xf32>
        %get3A_510 = arith.index_cast %add3A_240 : i32 to index
        %get3A_511 = arith.constant 0 : index
        %get3A_512 = vector.load %arg1[%get3A_510, %get3A_511] : memref<48x128xf32, #tpu.memory_space<vmem>>, vector<8x128xf32>
        %le3A = arith.constant 5.000000e-01 : f32
        %le3A_513 = vector.broadcast %le3A : f32 to vector<8x128xf32>
        %le3A_514 = arith.cmpf ole, %concatenate3A, %le3A_513 : vector<8x128xf32>
        %convert_element_type3A_515 = arith.extui %le3A_514 : vector<8x128xi1> to vector<8x128xi32>
        %convert_element_type3A_516 = arith.sitofp %convert_element_type3A_515 : vector<8x128xi32> to vector<8x128xf32>
        %mul3A_517 = arith.mulf %get3A_512, %convert_element_type3A_516 : vector<8x128xf32>
        %swap3A_518 = arith.index_cast %add3A_240 : i32 to index
        %swap3A_519 = arith.constant 0 : index
        %swap3A_520 = vector.load %arg1[%swap3A_518, %swap3A_519] : memref<48x128xf32, #tpu.memory_space<vmem>>, vector<8x128xf32>
        tpu.vector_store %arg1[%swap3A_518, %swap3A_519], %mul3A_517 {strides = array<i32>} : memref<48x128xf32, #tpu.memory_space<vmem>>, vector<8x128xf32>,
        %while3A_521 = arith.constant 0 : i32
        scf.yield %while3A_521 : i32
      }
    }
    %scan3A_60 = arith.constant 40 : i32
    return
  }
}

</mosaic_0001>

<sc_bundles>
// kernel: kernel.6.cloned.1.call-start
scs
__scs_entry_jumppad:
0x0: {  	(pc) =	sbr.rel $0x88, $3  }
0x1: {  	(tag) =	ssettag $0x0;
	lr =	simm.s32 $0x1  }
0x2: {  	[smem:$0x3FA0] =	sst lr;
	_ =	strace $0xD0000000  }
0x3: {  	_ = 	snop  }
0x4: {  	_ = 	snop  }
0x5: {  	_ = 	snop  }
0x6: {  	_ = 	snop  }
0x7: {  	_ = 	snop  }
__scs_overlays_trampoline_lowered:
0x8: {  	[smem:$0x3FAF] =	sst s0  }
0x9: {  	[smem:$0x3FB0] =	sst s1  }
0xa: {  	[smem:$0x3FB1] =	sst s2  }
0xb: {  	[smem:$0x3FB2] =	sst s3  }
0xc: {  	[smem:$0x3FB3] =	sst s4  }
0xd: {  	[smem:$0x3FB4] =	sst s5  }
0xe: {  	[smem:$0x3FB5] =	sst s6  }
0xf: {  	[smem:$0x3FB6] =	sst s7  }
0x10: {  	[smem:$0x3FB7] =	sst s8  }
0x11: {  	[smem:$0x3FB8] =	sst s9;
	s0 =	simm.s32 @!p0 $0x0  }
0x12: {  	s1 =	sld [smem:$0x3F9E];
	s0 =	simm.s32 @p0 $0x1  }
0x13: {  	[smem:$0x3FB9] =	sst s0;
	s0 =	simm.s32 @!p1 $0x0  }
0x14: {  	s2 =	sld [smem:$0x3F9D];
	s0 =	simm.s32 @p1 $0x1  }
0x15: {  	[smem:$0x3FBA] =	sst s0;
	s0 =	simm.s32 @!p2 $0x0  }
0x16: {  	s3 =	sld [smem:$0x3FDB];
	s0 =	simm.s32 @p2 $0x1  }
0x17: {  	s4 =	simm.s32 $0x1BF5;
	[smem:$0x3FBC] =	sst s0  }
0x18: {  	s0 =	sld [smem:$0x3F9F];
	_ =	swait.ge [sflag:s4], $0x0  }
0x19: {  	s7 =	sld [smem:$0x3FA0]  }
0x1a: {  	s8 =	sadd.s32 $0xFFFFE003, lr  }
0x1b: {  	s9 =	sadd.s32 $0xFFFFFEF7, lr;
	s5 =	simm.s32 $0xFFFFFFFF;
	p2 =	slt.u32 s8, $0xFFFFF086  }
0x1c: {  	p1 =	slt.u32 s9, $0xF7A;
	s5 =	simm.s32 @!p2 $0x0  }
0x1d: {  	s5 =	simm.s32 @p1 $0x1;
	p0 =	seq.s32 s7, s2  }
0x1e: {  	s7 =	smul.u32 @!p0 $0xF7A, s2;
	p2 =	seq.s32 @!p0 s5, $0x0  }
0x1f: {  	s9 =	smul.u32 $0xF7A, s1;
	s8 =	simm.s32 @!p0 $0x1BF5;
	p2 =	por !p2, p0  }
0x20: {  	[sflag:s8] =	ssyncset.s32 @!p0 $0xFFFFF086;
	s6 =	sadd.s32 @!p0 s3, s7;
	s7 =	simm.s32 @!p0 $0x108  }
0x21: {  	s3 =	sadd.s32 s3, s9;
	s6 =	sadd.s32 @!p0 $0x88, s6;
	s7 =	simm.s32 @p2 $0x1082  }
0x22: {  	[simem:s7], [sflag:s8] =	dma.local @!p0 [hbm:s6], $0xF7A  }
0x23: {  	s9 =	sor.u32 $0xD0000000, s2;
	s6 =	simm.s32 $0x108;
	_ =	swait.ge @!p0 [sflag:s8], $0x0  }
0x24: {  	s3 =	sadd.s32 $0x88, s3;
	s6 =	simm.s32 @!p1 $0x1082;
	[sflag:s4] =	ssyncset.s32 $0xFFFFF086  }
0x25: {  	[simem:s6], [sflag:s4] =	dma.local [hbm:s3], $0xF7A  }
0x26: {  	[smem:$0x3FA0] =	sst s1;
	(tag) =	ssettag s2;
	_ =	strace s9  }
0x27: {  	s1 =	sld [smem:$0x3FB0]  }
0x28: {  	s2 =	sld [smem:$0x3FB1]  }
0x29: {  	s4 =	sld [smem:$0x3FB3]  }
0x2a: {  	p0 =	seq.s32 s5, $0x0;
	s5 =	sld [smem:$0x3FB4]  }
0x2b: {  	s6 =	sld [smem:$0x3FB5]  }
0x2c: {  	s7 =	sld [smem:$0x3FB6]  }
0x2d: {  	s3 =	simm.s32 $0x108;
	s8 =	sld [smem:$0x3FB7]  }
0x2e: {  	s3 =	simm.s32 @!p0 $0x1082;
	s9 =	sld [smem:$0x3FB8]  }
0x2f: {  	lr =	sadd.s32 s0, s3;
	s0 =	sld [smem:$0x3FAF]  }
0x30: {  	s3 =	sld [smem:$0x3FB2]  }
0x31: {  	[smem:$0x3FBB] =	sst s10  }
0x32: {  	s10 =	sld [smem:$0x3FB9];
	_ =	sdelay $0x3  }
0x33: {  	p0 =	seq.s32 s10, $0x1;
	s10 =	sld [smem:$0x3FBB];
	_ =	sdelay $0x3  }
0x34: {  	[smem:$0x3FBB] =	sst s10  }
0x35: {  	s10 =	sld [smem:$0x3FBA];
	_ =	sdelay $0x3  }
0x36: {  	p1 =	seq.s32 s10, $0x1;
	s10 =	sld [smem:$0x3FBB];
	_ =	sdelay $0x3  }
0x37: {  	[smem:$0x3FBB] =	sst s10  }
0x38: {  	s10 =	sld [smem:$0x3FBC]  }
0x39: {  	_ = 	snop;
	(pc) =	sbr.ind lr, $3  }
0x3a: {  	_ = 	snop  }
0x3b: {  	_ = 	snop  }
0x3c: {  	p2 =	seq.s32 s10, $0x1;
	s10 =	sld [smem:$0x3FBB]  }
0x3d: {  	_ =	shalt  }
0x3e: {  	_ =	shalt  }
0x3f: {  	_ =	shalt  }
0x40: {  	_ =	shalt  }
0x41: {  	_ =	shalt  }
0x42: {  	_ =	shalt  }
0x43: {  	_ =	shalt  }
0x44: {  	_ =	shalt  }
0x45: {  	_ =	shalt  }
0x46: {  	_ =	shalt  }
0x47: {  	_ =	shalt  }
0x48: {  	_ =	shalt  }
0x49: {  	_ =	shalt  }
0x4a: {  	_ =	shalt  }
0x4b: {  	_ =	shalt  }
0x4c: {  	_ =	shalt  }
0x4d: {  	_ =	shalt  }
0x4e: {  	_ =	shalt  }
0x4f: {  	_ =	shalt  }
0x50: {  	_ =	shalt  }
0x51: {  	_ =	shalt  }
0x52: {  	_ =	shalt  }
0x53: {  	_ =	shalt  }
0x54: {  	_ =	shalt  }
0x55: {  	_ =	shalt  }
0x56: {  	_ =	shalt  }
0x57: {  	_ =	shalt  }
0x58: {  	_ =	shalt  }
0x59: {  	_ =	shalt  }
0x5a: {  	_ =	shalt  }
0x5b: {  	_ =	shalt  }
0x5c: {  	_ =	shalt  }
0x5d: {  	_ =	shalt  }
0x5e: {  	_ =	shalt  }
0x5f: {  	_ =	shalt  }
0x60: {  	_ =	shalt  }
0x61: {  	_ =	shalt  }
0x62: {  	_ =	shalt  }
0x63: {  	_ =	shalt  }
0x64: {  	_ =	shalt  }
0x65: {  	_ =	shalt  }
0x66: {  	_ =	shalt  }
0x67: {  	_ =	shalt  }
0x68: {  	_ =	shalt  }
0x69: {  	_ =	shalt  }
0x6a: {  	_ =	shalt  }
0x6b: {  	_ =	shalt  }
0x6c: {  	_ =	shalt  }
0x6d: {  	_ =	shalt  }
0x6e: {  	_ =	shalt  }
0x6f: {  	_ =	shalt  }
0x70: {  	_ =	shalt  }
0x71: {  	_ =	shalt  }
0x72: {  	_ =	shalt  }
0x73: {  	_ =	shalt  }
0x74: {  	_ =	shalt  }
0x75: {  	_ =	shalt  }
0x76: {  	_ =	shalt  }
0x77: {  	_ =	shalt  }
0x78: {  	_ =	shalt  }
0x79: {  	_ =	shalt  }
0x7a: {  	_ =	shalt  }
0x7b: {  	_ =	shalt  }
0x7c: {  	_ =	shalt  }
0x7d: {  	_ =	shalt  }
0x7e: {  	_ =	shalt  }
0x7f: {  	_ =	shalt  }
0x80: {  	_ =	shalt  }
0x81: {  	_ =	shalt  }
0x82: {  	_ =	shalt  }
0x83: {  	_ =	shalt  }
0x84: {  	_ =	shalt  }
0x85: {  	_ =	shalt  }
0x86: {  	_ =	shalt  }
0x87: {  	_ =	shalt  }
.Lfunc_end0:
.L_simem_size_0:
called_computation_lowered:
.L_overlay_start_0:
0x88: {  	s2 =	sld [smem:$0x3FD9]  }
0x89: {  	s3 =	sld [smem:$0x3FFE];
	_ =	sdelay $0x1  }
0x8a: {  	s1 =	srdreg.scid  }
0x8b: {  	s0 =	sand.u32 $0x1, s1  }
0x8c: {  	s17 =	sshll.u32 s0, $0xA;
	s2 =	sadd.s32 s3, s2  }
0x8d: {  	s2 =	sadd.s32 s2, s17  }
0x8e: {  	[smem:$0x3FC7] =	sst s2  }
0x8f: {  	_ = 	snop  }
0x90: {  	s2 =	sld [smem:$0x3FD0];
	(tm) =	ssettm $0x1  }
0x91: {  	s18 =	sld [smem:$0x3FFB];
	_ =	sdelay $0x3  }
0x92: {  	_ =	strace s18  }
0x93: {  	s3 =	sld [smem:$0x3FFC];
	_ =	sdelay $0x3  }
0x94: {  	_ =	strace s3  }
0x95: {  	s3 =	sld [smem:$0x3FFD];
	_ =	sdelay $0x3  }
0x96: {  	_ =	strace s3  }
0x97: {  	_ =	strace $0x8FFFFFFF  }
0x98: {  	s19 =	sld [smem:$0x3FDB];
	_ =	sdelay $0x1  }
0x99: {  	s4 =	simm.s32 $_scs_section_size  }
0x9a: {  	s5 =	simm.s32 $_size__tile_overlayer_lowered;
	s6 =	simm.s32 $_tile_overlayer_lowered  }
0x9b: {  	s22 =	simm.s32 $0x1BFF;
	s21 =	sshll.u32 s6, $0x1;
	s3 =	sadd.s32 s4, s19  }
0x9c: {  	s7 =	simm.s32 $0x0;
	s20 =	sshll.u32 s5, $0x1;
	s5 =	sadd.s32 s21, s3  }
0x9d: {  	[timem:s7], [sflag:s22] =	dma.local [hbm:s5], s20  }
0x9e: {  	_ =	swait.ge [sflag:s22], s20  }
0x9f: {  	s4 =	ssub.s32 $0x0, s20;
	[sflag:s22] =	ssyncset.done $0x0  }
0xa0: {  	[sflag:s22] =	ssyncadd.s32 s4;
	_ =	sdelay $0x1  }
0xa1: {  	s23 =	simm.s32 $0x1B8B  }
0xa2: {  	_ =	swait.ge [sflag:s23], $0x1  }
0xa3: {  	[sflag:s23] =	ssyncset.done $0x0  }
0xa4: {  	s25 =	simm.s32 $0x1B8E;
	s24 =	sld [smem:$0x3FFE];
	[sflag:s23] =	ssyncadd.s32 $0xFFFFFFFF  }
0xa5: {  	s26 =	simm.s32 $execute0_lowered;
	[smem:$0x3FD2] =	sst s25  }
0xa6: {  	s5 =	sshll.u32 s26, $0x1;
	_ =	strace $0x80000046;
	[dreg:$0x1] =	wrdreg $0xFFFFFFFF  }
0xa7: {  	s28 =	simm.s32 $_size_execute0_lowered;
	s3 =	sadd.s32 s3, s5;
	[dreg:$0x0] =	wrdreg $0x0  }
0xa8: {  	s5 =	sshll.u32 s28, $0x1;
	[dreg:$0x2] =	wrdreg s3  }
0xa9: {  	[dreg:$0x3] =	wrdreg s5  }
0xaa: {  	[dreg:$0x4] =	wrdreg $0xC0  }
0xab: {  	_ =	task [dreg:s7], $0x5FFFF  }
0xac: {  	[dreg:$0x1] =	wrdreg $0xFFFFFFFF  }
0xad: {  	[dreg:$0x0] =	wrdreg $0x60  }
0xae: {  	[dreg:$0x2] =	wrdreg s24  }
0xaf: {  	[dreg:$0x3] =	wrdreg s2  }
0xb0: {  	[dreg:$0x4] =	wrdreg $0x9  }
0xb1: {  	_ =	task.clear_ibuf [dreg:s7], $0x5FFFF;
	_ =	strace $0x90000046  }
0xb2: {  	s29 =	simm.s32 $0x9;
	_ =	strace $0x80000048  }
0xb3: {  	_ =	swait.ge [sflag:s29], $0x1  }
0xb4: {  	[sflag:s29] =	ssyncadd.s32 $0xFFFFFFFF  }
0xb5: {  	_ =	strace $0x90000048  }
0xb6: {  	_ =	sfence  }
0xb7: {  	s30 =	sld [smem:$0x0];
	_ =	sdelay $0x2  }
0xb8: {  	s31 =	sshll.u32 s1, $0xD;
	s1 =	sshrl.u32 s1, $0x2  }
0xb9: {  	s3 =	sand.u32 $0x4000, s31;
	s1 =	sadd.s32 s1, s30  }
0xba: {  	s0 =	sor.u32 s3, s0;
	s1 =	sshll.u32 s1, $0x11  }
0xbb: {  	s0 =	sor.u32 s1, s0  }
0xbc: {  	s0 =	sadd.s32 $0x8F2B, s0  }
0xbd: {  	[sflag:s0] =	ssyncadd.remote.s32 $0x1  }
0xbe: {  	_ =	sfence.sel $0xFFFF  }
0xbf: {  	[dreg:$0x0] =	wrdreg $0xFFFFFFFF;
	(pc) =	sbr.abs _section_cstart, $3  }
0xc0: {  	[dreg:$0x1] =	wrdreg $0xFFFFFFFF  }
0xc1: {  	_ =	task.clear_ibuf [dreg:s7], $0x2FFFF;
	_ =	strace $0x9FFFFFFF  }
0xc2: {  	(tm) =	ssettm $0x7FFFFFFF  }
0xc3: {  	_ =	shalt  }
tec
execute0_lowered:
.L_overlay_start_1:
0x0: {  	(tag) =	ssettag $0x1  }
0x1: {  	s1 =	srdreg.scid;
	s0 =	stileid.u32  }
0x2: {  	s11 =	sand.u32 $0x1, s1;
	s31 =	sshll.u32 s0, $0x1  }
0x3: {  	s9 =	rddreg [dreg:$0x0];
	s5 =	sor.u32 s11, s31  }
0x4: {  	s3 =	rddreg [dreg:$0x1];
	s4 =	smul.u32 $0xA0, s5  }
0x5: {  	s2 =	simm.s32 $0x0;
	s1 =	rddreg [dreg:$0x2]  }
0x6: {  	[smem:$0x7FF] =	sst s2;
	s4 =	sshrl.u32 s4, $0x3  }
0x7: {  	_ =	strace $0x80000047;
	s3 =	sadd.s32 s3, s4;
	s4 =	simm.s32 $0x2  }
0x8: {  	[tilespmem:s2], [sflag:$0x2] =	stream.linear.gather [hbm4b:s3+s2], $0x50, $0x38;
	[tilespmem:$0x5100] =	vst v63  }
0x9: {  	_ =	swait.ge [sflag:s4], $0x50  }
0xa: {  	s6 =	simm.s32 $0x80;
	[sflag:s4] =	ssyncset.done $0x0  }
0xb: {  	s7 =	smul.u32 $0xA00, s5;
	s5 =	sadd.s32 $0xA, s3;
	[sflag:s4] =	ssyncadd.s32 $0xFFFFFFB0  }
0xc: {  	[tilespmem:s6], [sflag:$0x2] =	stream.linear.gather [hbm4b:s5+s2], $0x50, $0x38;
	[tilespmem:$0x5100] =	vst v63  }
0xd: {  	_ =	swait.ge [sflag:s4], $0x50  }
0xe: {  	s8 =	simm.s32 $0x100;
	s7 =	sadd.s32 s7, s9;
	[sflag:s4] =	ssyncset.done $0x0  }
0xf: {  	s13 =	ssub.s32 $0x2, s11;
	s7 =	sadd.s32 $0xA00, s7;
	[sflag:s4] =	ssyncadd.s32 $0xFFFFFFB0  }
0x10: {  	[tilespmem:s8], [sflag:$0x2] =	stream.linear.gather [hbm4b:s7+s2], $0x5000, $0x38;
	[tilespmem:$0x5100] =	vst v63  }
0x11: {  	s14 =	sshrl.u32 s13, $0x1;
	_ =	swait.ge [sflag:s4], $0x5000  }
0x12: {  	s10 =	simm.s32 $0x50;
	s13 =	ssub.s32 s13, s14;
	[sflag:s4] =	ssyncset.done $0x0  }
0x13: {  	s9 =	sadd.s32 $0x14A00, s9;
	s13 =	smax.u32 s13, $0x1;
	[sflag:s4] =	ssyncadd.s32 $0xFFFFB000  }
0x14: {  	[hbm4b:s9+s10] =	stream.indirect.scatter [tilespmem:s8], [sflag:$0x1], $0x80, s2, s10, $0xb8;
	[tilespmem:$0x5100] =	vst v63  }
0x15: {  	s12 =	simm.s32 $0x2900;
	s11 =	simm.s32 $0x1;
	p0 =	sne.s32 s13, $0x1  }
0x16: {  	[hbm4b:s9+s10] =	stream.indirect.scatter [tilespmem:s12], [sflag:$0x1], $0x80, s6, s10, $0xb8;
	[tilespmem:$0x5100] =	vst v63  }
.Ltmp0:
0x17: {  	_ =	swait.ge [sflag:s11], $0x2800;
	(pc) =	sbr.rel @!p0 .LBB2_2-.Ltmp0, $4  }
0x18: {  	[sflag:s11] =	ssyncset.done $0x0  }
0x19: {  	[sflag:s11] =	ssyncadd.s32 $0xFFFFD800  }
0x1a: {  	_ =	swait.ge [sflag:s11], $0x2800  }
0x1b: {  	s13 =	sadd.s32 $0xFFFFFFFF, s13;
	[sflag:s11] =	ssyncset.done $0x0  }
.LBB2_1:
0x1c: {  	p0 =	sne.s32 s13, $0x1;
	s13 =	sadd.s32 $0xFFFFFFFF, s13;
	[sflag:s11] =	ssyncadd.s32 $0xFFFFD800  }
0x1d: {  	[tilespmem:s2], [sflag:$0x2] =	stream.linear.gather [hbm4b:s3+s2], $0x50, $0x38;
	[tilespmem:$0x5100] =	vst v63  }
0x1e: {  	_ =	swait.ge [sflag:s4], $0x50  }
0x1f: {  	[sflag:s4] =	ssyncset.done $0x0  }
0x20: {  	[sflag:s4] =	ssyncadd.s32 $0xFFFFFFB0  }
0x21: {  	[tilespmem:s6], [sflag:$0x2] =	stream.linear.gather [hbm4b:s5+s2], $0x50, $0x38;
	[tilespmem:$0x5100] =	vst v63  }
0x22: {  	_ =	swait.ge [sflag:s4], $0x50  }
0x23: {  	[sflag:s4] =	ssyncset.done $0x0  }
0x24: {  	[sflag:s4] =	ssyncadd.s32 $0xFFFFFFB0  }
0x25: {  	[tilespmem:s8], [sflag:$0x2] =	stream.linear.gather [hbm4b:s7+s2], $0x5000, $0x38;
	[tilespmem:$0x5100] =	vst v63  }
0x26: {  	_ =	swait.ge [sflag:s4], $0x5000  }
0x27: {  	[sflag:s4] =	ssyncset.done $0x0  }
0x28: {  	[sflag:s4] =	ssyncadd.s32 $0xFFFFB000  }
0x29: {  	[hbm4b:s9+s10] =	stream.indirect.scatter [tilespmem:s8], [sflag:$0x1], $0x80, s2, s10, $0xb8;
	[tilespmem:$0x5100] =	vst v63  }
0x2a: {  	_ = 	snop  }
0x2b: {  	[hbm4b:s9+s10] =	stream.indirect.scatter [tilespmem:s12], [sflag:$0x1], $0x80, s6, s10, $0xb8;
	[tilespmem:$0x5100] =	vst v63  }
.Ltmp1:
0x2c: {  	_ =	swait.ge [sflag:s11], $0x2800;
	(pc) =	sbr.rel @p0 .LBB2_1-.Ltmp1, $4  }
0x2d: {  	[sflag:s11] =	ssyncset.done $0x0  }
0x2e: {  	[sflag:s11] =	ssyncadd.s32 $0xFFFFD800  }
0x2f: {  	_ =	swait.ge [sflag:s11], $0x2800  }
0x30: {  	[sflag:s11] =	ssyncset.done $0x0  }
.LBB2_2:
0x31: {  	[sflag:s11] =	ssyncadd.s32 $0xFFFFD800  }
0x32: {  	_ =	sfence.sel $0x180000  }
0x33: {  	[bflag:$0x0] =	sbarrier.arrive $0xFFFF  }
0x34: {  	p0 =	sne.s32 s0, $0x0;
	_ =	strace $0x90000047  }
0x35: {  	s0 =	sadd.s32 @!p0 $0x100000, s1;
	[bflag:$0x2] =	sbarrier.arrive $0xFFFF  }
0x36: {  	[sflag:s0] =	ssyncadd.tile.s32 @!p0 $0x1;
	_ =	shalt  }
.Lfunc_end2:
_tile_overlayer_lowered:
.L_overlay_start_2:
0x37: {  	(tag) =	ssettag $0x2  }
0x38: {  	s0 =	rddreg [dreg:$0x0];
	s2 =	stileid.u32  }
0x39: {  	s1 =	rddreg [dreg:$0x1];
	p0 =	sne.s32 s2, $0x0  }
0x3a: {  	s3 =	rddreg [dreg:$0x2];
	[bflag:$0x3] =	sbarrier.arrive $0xFFFF;
	s2 =	simm.s32 @!p0 $0x1C02  }
0x3b: {  	[timem:s3], [sflag:s2] =	dma.local @!p0 [hbm:s0], s1  }
0x3c: {  	s0 =	simm.s32 @!p0 $0x2  }
0x3d: {  	_ =	swait.ge @!p0 [sflag:s0], s1  }
0x3e: {  	s1 =	ssub.s32 @!p0 $0x0, s1;
	[sflag:s0] =	ssyncset.done @!p0 $0x0  }
0x3f: {  	[sflag:s0] =	ssyncadd.s32 @!p0 s1  }
0x40: {  	[bflag:$0x3] =	sbarrier.arrive $0xFFFF  }
0x41: {  	_ =	shalt  }

// kernel: kernel.9.cloned.1.call-start
scs
__scs_entry_jumppad:
0x0: {  	(pc) =	sbr.rel $0x88, $3  }
0x1: {  	(tag) =	ssettag $0x0;
	lr =	simm.s32 $0x1  }
0x2: {  	[smem:$0x3FA0] =	sst lr;
	_ =	strace $0xD0000000  }
0x3: {  	_ = 	snop  }
0x4: {  	_ = 	snop  }
0x5: {  	_ = 	snop  }
0x6: {  	_ = 	snop  }
0x7: {  	_ = 	snop  }
__scs_overlays_trampoline_lowered:
0x8: {  	[smem:$0x3FAF] =	sst s0  }
0x9: {  	[smem:$0x3FB0] =	sst s1  }
0xa: {  	[smem:$0x3FB1] =	sst s2  }
0xb: {  	[smem:$0x3FB2] =	sst s3  }
0xc: {  	[smem:$0x3FB3] =	sst s4  }
0xd: {  	[smem:$0x3FB4] =	sst s5  }
0xe: {  	[smem:$0x3FB5] =	sst s6  }
0xf: {  	[smem:$0x3FB6] =	sst s7  }
0x10: {  	[smem:$0x3FB7] =	sst s8  }
0x11: {  	[smem:$0x3FB8] =	sst s9;
	s0 =	simm.s32 @!p0 $0x0  }
0x12: {  	s1 =	sld [smem:$0x3F9E];
	s0 =	simm.s32 @p0 $0x1  }
0x13: {  	[smem:$0x3FB9] =	sst s0;
	s0 =	simm.s32 @!p1 $0x0  }
0x14: {  	s2 =	sld [smem:$0x3F9D];
	s0 =	simm.s32 @p1 $0x1  }
0x15: {  	[smem:$0x3FBA] =	sst s0;
	s0 =	simm.s32 @!p2 $0x0  }
0x16: {  	s3 =	sld [smem:$0x3FDB];
	s0 =	simm.s32 @p2 $0x1  }
0x17: {  	s4 =	simm.s32 $0x1BF5;
	[smem:$0x3FBC] =	sst s0  }
0x18: {  	s0 =	sld [smem:$0x3F9F];
	_ =	swait.ge [sflag:s4], $0x0  }
0x19: {  	s7 =	sld [smem:$0x3FA0]  }
0x1a: {  	s8 =	sadd.s32 $0xFFFFE003, lr  }
0x1b: {  	s9 =	sadd.s32 $0xFFFFFEF7, lr;
	s5 =	simm.s32 $0xFFFFFFFF;
	p2 =	slt.u32 s8, $0xFFFFF086  }
0x1c: {  	p1 =	slt.u32 s9, $0xF7A;
	s5 =	simm.s32 @!p2 $0x0  }
0x1d: {  	s5 =	simm.s32 @p1 $0x1;
	p0 =	seq.s32 s7, s2  }
0x1e: {  	s7 =	smul.u32 @!p0 $0xF7A, s2;
	p2 =	seq.s32 @!p0 s5, $0x0  }
0x1f: {  	s9 =	smul.u32 $0xF7A, s1;
	s8 =	simm.s32 @!p0 $0x1BF5;
	p2 =	por !p2, p0  }
0x20: {  	[sflag:s8] =	ssyncset.s32 @!p0 $0xFFFFF086;
	s6 =	sadd.s32 @!p0 s3, s7;
	s7 =	simm.s32 @!p0 $0x108  }
0x21: {  	s3 =	sadd.s32 s3, s9;
	s6 =	sadd.s32 @!p0 $0x88, s6;
	s7 =	simm.s32 @p2 $0x1082  }
0x22: {  	[simem:s7], [sflag:s8] =	dma.local @!p0 [hbm:s6], $0xF7A  }
0x23: {  	s9 =	sor.u32 $0xD0000000, s2;
	s6 =	simm.s32 $0x108;
	_ =	swait.ge @!p0 [sflag:s8], $0x0  }
0x24: {  	s3 =	sadd.s32 $0x88, s3;
	s6 =	simm.s32 @!p1 $0x1082;
	[sflag:s4] =	ssyncset.s32 $0xFFFFF086  }
0x25: {  	[simem:s6], [sflag:s4] =	dma.local [hbm:s3], $0xF7A  }
0x26: {  	[smem:$0x3FA0] =	sst s1;
	(tag) =	ssettag s2;
	_ =	strace s9  }
0x27: {  	s1 =	sld [smem:$0x3FB0]  }
0x28: {  	s2 =	sld [smem:$0x3FB1]  }
0x29: {  	s4 =	sld [smem:$0x3FB3]  }
0x2a: {  	p0 =	seq.s32 s5, $0x0;
	s5 =	sld [smem:$0x3FB4]  }
0x2b: {  	s6 =	sld [smem:$0x3FB5]  }
0x2c: {  	s7 =	sld [smem:$0x3FB6]  }
0x2d: {  	s3 =	simm.s32 $0x108;
	s8 =	sld [smem:$0x3FB7]  }
0x2e: {  	s3 =	simm.s32 @!p0 $0x1082;
	s9 =	sld [smem:$0x3FB8]  }
0x2f: {  	lr =	sadd.s32 s0, s3;
	s0 =	sld [smem:$0x3FAF]  }
0x30: {  	s3 =	sld [smem:$0x3FB2]  }
0x31: {  	[smem:$0x3FBB] =	sst s10  }
0x32: {  	s10 =	sld [smem:$0x3FB9];
	_ =	sdelay $0x3  }
0x33: {  	p0 =	seq.s32 s10, $0x1;
	s10 =	sld [smem:$0x3FBB];
	_ =	sdelay $0x3  }
0x34: {  	[smem:$0x3FBB] =	sst s10  }
0x35: {  	s10 =	sld [smem:$0x3FBA];
	_ =	sdelay $0x3  }
0x36: {  	p1 =	seq.s32 s10, $0x1;
	s10 =	sld [smem:$0x3FBB];
	_ =	sdelay $0x3  }
0x37: {  	[smem:$0x3FBB] =	sst s10  }
0x38: {  	s10 =	sld [smem:$0x3FBC]  }
0x39: {  	_ = 	snop;
	(pc) =	sbr.ind lr, $3  }
0x3a: {  	_ = 	snop  }
0x3b: {  	_ = 	snop  }
0x3c: {  	p2 =	seq.s32 s10, $0x1;
	s10 =	sld [smem:$0x3FBB]  }
0x3d: {  	_ =	shalt  }
0x3e: {  	_ =	shalt  }
0x3f: {  	_ =	shalt  }
0x40: {  	_ =	shalt  }
0x41: {  	_ =	shalt  }
0x42: {  	_ =	shalt  }
0x43: {  	_ =	shalt  }
0x44: {  	_ =	shalt  }
0x45: {  	_ =	shalt  }
0x46: {  	_ =	shalt  }
0x47: {  	_ =	shalt  }
0x48: {  	_ =	shalt  }
0x49: {  	_ =	shalt  }
0x4a: {  	_ =	shalt  }
0x4b: {  	_ =	shalt  }
0x4c: {  	_ =	shalt  }
0x4d: {  	_ =	shalt  }
0x4e: {  	_ =	shalt  }
0x4f: {  	_ =	shalt  }
0x50: {  	_ =	shalt  }
0x51: {  	_ =	shalt  }
0x52: {  	_ =	shalt  }
0x53: {  	_ =	shalt  }
0x54: {  	_ =	shalt  }
0x55: {  	_ =	shalt  }
0x56: {  	_ =	shalt  }
0x57: {  	_ =	shalt  }
0x58: {  	_ =	shalt  }
0x59: {  	_ =	shalt  }
0x5a: {  	_ =	shalt  }
0x5b: {  	_ =	shalt  }
0x5c: {  	_ =	shalt  }
0x5d: {  	_ =	shalt  }
0x5e: {  	_ =	shalt  }
0x5f: {  	_ =	shalt  }
0x60: {  	_ =	shalt  }
0x61: {  	_ =	shalt  }
0x62: {  	_ =	shalt  }
0x63: {  	_ =	shalt  }
0x64: {  	_ =	shalt  }
0x65: {  	_ =	shalt  }
0x66: {  	_ =	shalt  }
0x67: {  	_ =	shalt  }
0x68: {  	_ =	shalt  }
0x69: {  	_ =	shalt  }
0x6a: {  	_ =	shalt  }
0x6b: {  	_ =	shalt  }
0x6c: {  	_ =	shalt  }
0x6d: {  	_ =	shalt  }
0x6e: {  	_ =	shalt  }
0x6f: {  	_ =	shalt  }
0x70: {  	_ =	shalt  }
0x71: {  	_ =	shalt  }
0x72: {  	_ =	shalt  }
0x73: {  	_ =	shalt  }
0x74: {  	_ =	shalt  }
0x75: {  	_ =	shalt  }
0x76: {  	_ =	shalt  }
0x77: {  	_ =	shalt  }
0x78: {  	_ =	shalt  }
0x79: {  	_ =	shalt  }
0x7a: {  	_ =	shalt  }
0x7b: {  	_ =	shalt  }
0x7c: {  	_ =	shalt  }
0x7d: {  	_ =	shalt  }
0x7e: {  	_ =	shalt  }
0x7f: {  	_ =	shalt  }
0x80: {  	_ =	shalt  }
0x81: {  	_ =	shalt  }
0x82: {  	_ =	shalt  }
0x83: {  	_ =	shalt  }
0x84: {  	_ =	shalt  }
0x85: {  	_ =	shalt  }
0x86: {  	_ =	shalt  }
0x87: {  	_ =	shalt  }
.Lfunc_end0:
.L_simem_size_0:
called_computation.1_lowered:
.L_overlay_start_0:
0x88: {  	s2 =	sld [smem:$0x3FD9]  }
0x89: {  	s3 =	sld [smem:$0x3FFE];
	_ =	sdelay $0x1  }
0x8a: {  	s1 =	srdreg.scid  }
0x8b: {  	s0 =	sand.u32 $0x1, s1  }
0x8c: {  	s17 =	sshll.u32 s0, $0xA;
	s2 =	sadd.s32 s3, s2  }
0x8d: {  	s2 =	sadd.s32 s2, s17  }
0x8e: {  	[smem:$0x3FC7] =	sst s2  }
0x8f: {  	_ = 	snop  }
0x90: {  	s2 =	sld [smem:$0x3FD0];
	(tm) =	ssettm $0x1  }
0x91: {  	s18 =	sld [smem:$0x3FFB];
	_ =	sdelay $0x3  }
0x92: {  	_ =	strace s18  }
0x93: {  	s3 =	sld [smem:$0x3FFC];
	_ =	sdelay $0x3  }
0x94: {  	_ =	strace s3  }
0x95: {  	s3 =	sld [smem:$0x3FFD];
	_ =	sdelay $0x3  }
0x96: {  	_ =	strace s3  }
0x97: {  	_ =	strace $0x8FFFFFFF  }
0x98: {  	s19 =	sld [smem:$0x3FDB];
	_ =	sdelay $0x1  }
0x99: {  	s4 =	simm.s32 $_scs_section_size  }
0x9a: {  	s5 =	simm.s32 $_size__tile_overlayer_lowered;
	s6 =	simm.s32 $_tile_overlayer_lowered  }
0x9b: {  	s22 =	simm.s32 $0x1BFF;
	s21 =	sshll.u32 s6, $0x1;
	s3 =	sadd.s32 s4, s19  }
0x9c: {  	s7 =	simm.s32 $0x0;
	s20 =	sshll.u32 s5, $0x1;
	s5 =	sadd.s32 s21, s3  }
0x9d: {  	[timem:s7], [sflag:s22] =	dma.local [hbm:s5], s20  }
0x9e: {  	_ =	swait.ge [sflag:s22], s20  }
0x9f: {  	s4 =	ssub.s32 $0x0, s20;
	[sflag:s22] =	ssyncset.done $0x0  }
0xa0: {  	[sflag:s22] =	ssyncadd.s32 s4;
	_ =	sdelay $0x1  }
0xa1: {  	s23 =	simm.s32 $0x1B8B  }
0xa2: {  	_ =	swait.ge [sflag:s23], $0x1  }
0xa3: {  	[sflag:s23] =	ssyncset.done $0x0  }
0xa4: {  	s25 =	simm.s32 $0x1B8E;
	s24 =	sld [smem:$0x3FFE];
	[sflag:s23] =	ssyncadd.s32 $0xFFFFFFFF  }
0xa5: {  	s26 =	simm.s32 $execute0_lowered;
	[smem:$0x3FD2] =	sst s25  }
0xa6: {  	s5 =	sshll.u32 s26, $0x1;
	_ =	strace $0x80000049;
	[dreg:$0x1] =	wrdreg $0xFFFFFFFF  }
0xa7: {  	s28 =	simm.s32 $_size_execute0_lowered;
	s3 =	sadd.s32 s3, s5;
	[dreg:$0x0] =	wrdreg $0x0  }
0xa8: {  	s5 =	sshll.u32 s28, $0x1;
	[dreg:$0x2] =	wrdreg s3  }
0xa9: {  	[dreg:$0x3] =	wrdreg s5  }
0xaa: {  	[dreg:$0x4] =	wrdreg $0xC0  }
0xab: {  	_ =	task [dreg:s7], $0x5FFFF  }
0xac: {  	[dreg:$0x1] =	wrdreg $0xFFFFFFFF  }
0xad: {  	[dreg:$0x0] =	wrdreg $0x60  }
0xae: {  	[dreg:$0x2] =	wrdreg s24  }
0xaf: {  	[dreg:$0x3] =	wrdreg s2  }
0xb0: {  	[dreg:$0x4] =	wrdreg $0x9  }
0xb1: {  	_ =	task.clear_ibuf [dreg:s7], $0x5FFFF;
	_ =	strace $0x90000049  }
0xb2: {  	s29 =	simm.s32 $0x9;
	_ =	strace $0x8000004B  }
0xb3: {  	_ =	swait.ge [sflag:s29], $0x1  }
0xb4: {  	[sflag:s29] =	ssyncadd.s32 $0xFFFFFFFF  }
0xb5: {  	_ =	strace $0x9000004B  }
0xb6: {  	_ =	sfence  }
0xb7: {  	s30 =	sld [smem:$0x0];
	_ =	sdelay $0x2  }
0xb8: {  	s31 =	sshll.u32 s1, $0xD;
	s1 =	sshrl.u32 s1, $0x2  }
0xb9: {  	s3 =	sand.u32 $0x4000, s31;
	s1 =	sadd.s32 s1, s30  }
0xba: {  	s0 =	sor.u32 s3, s0;
	s1 =	sshll.u32 s1, $0x11  }
0xbb: {  	s0 =	sor.u32 s1, s0  }
0xbc: {  	s0 =	sadd.s32 $0x8F2B, s0  }
0xbd: {  	[sflag:s0] =	ssyncadd.remote.s32 $0x1  }
0xbe: {  	_ =	sfence.sel $0xFFFF  }
0xbf: {  	[dreg:$0x0] =	wrdreg $0xFFFFFFFF;
	(pc) =	sbr.abs _section_cstart, $3  }
0xc0: {  	[dreg:$0x1] =	wrdreg $0xFFFFFFFF  }
0xc1: {  	_ =	task.clear_ibuf [dreg:s7], $0x2FFFF;
	_ =	strace $0x9FFFFFFF  }
0xc2: {  	(tm) =	ssettm $0x7FFFFFFF  }
0xc3: {  	_ =	shalt  }
tec
execute0_lowered:
.L_overlay_start_1:
0x0: {  	(tag) =	ssettag $0x1  }
0x1: {  	s1 =	srdreg.scid;
	s0 =	stileid.u32  }
0x2: {  	s12 =	sand.u32 $0x1, s1;
	s29 =	sshll.u32 s0, $0x1  }
0x3: {  	s13 =	rddreg [dreg:$0x0];
	s14 =	sor.u32 s12, s29  }
0x4: {  	s3 =	rddreg [dreg:$0x1];
	s4 =	smul.u32 $0xA0, s14  }
0x5: {  	s2 =	simm.s32 $0x0;
	s1 =	rddreg [dreg:$0x2]  }
0x6: {  	[smem:$0x7FF] =	sst s2;
	s4 =	sshrl.u32 s4, $0x3  }
0x7: {  	_ =	strace $0x8000004A;
	s4 =	sadd.s32 s3, s4;
	s3 =	simm.s32 $0x2  }
0x8: {  	[tilespmem:s2], [sflag:$0x2] =	stream.linear.gather [hbm4b:s4+s2], $0x50, $0x38;
	[tilespmem:$0x5100] =	vst v63  }
0x9: {  	_ =	swait.ge [sflag:s3], $0x50  }
0xa: {  	[sflag:s3] =	ssyncset.done $0x0  }
0xb: {  	s6 =	simm.s32 $0x80;
	s5 =	sadd.s32 $0xA, s4;
	[sflag:s3] =	ssyncadd.s32 $0xFFFFFFB0  }
0xc: {  	[tilespmem:s6], [sflag:$0x2] =	stream.linear.gather [hbm4b:s5+s2], $0x50, $0x38;
	[tilespmem:$0x5100] =	vst v63  }
0xd: {  	_ =	swait.ge [sflag:s3], $0x50  }
0xe: {  	s8 =	simm.s32 $0x50;
	[sflag:s3] =	ssyncset.done $0x0  }
0xf: {  	s9 =	simm.s32 $0x100;
	s7 =	sadd.s32 $0xA00, s13;
	[sflag:s3] =	ssyncadd.s32 $0xFFFFFFB0  }
0x10: {  	[tilespmem:s9], [sflag:$0x1] =	stream.indirect.gather [hbm4b:s7+s8], $0x80, s2, s8, $0xb8;
	[tilespmem:$0x5100] =	vst v63  }
0x11: {  	s10 =	simm.s32 $0x2900;
	s11 =	simm.s32 $0x1;
	s12 =	ssub.s32 $0x2, s12  }
0x12: {  	[tilespmem:s10], [sflag:$0x1] =	stream.indirect.gather [hbm4b:s7+s8], $0x80, s6, s8, $0xb8;
	[tilespmem:$0x5100] =	vst v63  }
0x13: {  	s15 =	sshrl.u32 s12, $0x1;
	_ =	swait.ge [sflag:s11], $0x2800  }
0x14: {  	s30 =	ssub.s32 s12, s15;
	[sflag:s11] =	ssyncset.done $0x0  }
0x15: {  	s14 =	smul.u32 $0xA00, s14;
	s31 =	smax.u32 s30, $0x1;
	[sflag:s11] =	ssyncadd.s32 $0xFFFFD800  }
0x16: {  	p0 =	sne.s32 s31, $0x1;
	_ =	swait.ge [sflag:s11], $0x2800  }
.Ltmp0:
0x17: {  	s13 =	sadd.s32 s14, s13;
	[sflag:s11] =	ssyncset.done $0x0;
	(pc) =	sbr.rel @!p0 .LBB2_2-.Ltmp0, $4  }
0x18: {  	s12 =	sadd.s32 $0x14A00, s13;
	[sflag:s11] =	ssyncadd.s32 $0xFFFFD800  }
0x19: {  	[hbm4b:s12+s2] =	stream.linear.scatter [tilespmem:s9], [sflag:$0x2], $0x5000, $0x38;
	[tilespmem:$0x5100] =	vst v63  }
0x1a: {  	_ =	swait.ge [sflag:s3], $0x5000  }
0x1b: {  	s13 =	sadd.s32 $0xFFFFFFFF, s31;
	[sflag:s3] =	ssyncset.done $0x0  }
.LBB2_1:
0x1c: {  	p0 =	sne.s32 s13, $0x1;
	s13 =	sadd.s32 $0xFFFFFFFF, s13;
	[sflag:s3] =	ssyncadd.s32 $0xFFFFB000  }
0x1d: {  	[tilespmem:s2], [sflag:$0x2] =	stream.linear.gather [hbm4b:s4+s2], $0x50, $0x38;
	[tilespmem:$0x5100] =	vst v63  }
0x1e: {  	_ =	swait.ge [sflag:s3], $0x50  }
0x1f: {  	[sflag:s3] =	ssyncset.done $0x0  }
0x20: {  	[sflag:s3] =	ssyncadd.s32 $0xFFFFFFB0  }
0x21: {  	[tilespmem:s6], [sflag:$0x2] =	stream.linear.gather [hbm4b:s5+s2], $0x50, $0x38;
	[tilespmem:$0x5100] =	vst v63  }
0x22: {  	_ =	swait.ge [sflag:s3], $0x50  }
0x23: {  	[sflag:s3] =	ssyncset.done $0x0  }
0x24: {  	[sflag:s3] =	ssyncadd.s32 $0xFFFFFFB0  }
0x25: {  	[tilespmem:s9], [sflag:$0x1] =	stream.indirect.gather [hbm4b:s7+s8], $0x80, s2, s8, $0xb8;
	[tilespmem:$0x5100] =	vst v63  }
0x26: {  	_ = 	snop  }
0x27: {  	[tilespmem:s10], [sflag:$0x1] =	stream.indirect.gather [hbm4b:s7+s8], $0x80, s6, s8, $0xb8;
	[tilespmem:$0x5100] =	vst v63  }
0x28: {  	_ =	swait.ge [sflag:s11], $0x2800  }
0x29: {  	[sflag:s11] =	ssyncset.done $0x0  }
0x2a: {  	[sflag:s11] =	ssyncadd.s32 $0xFFFFD800  }
0x2b: {  	_ =	swait.ge [sflag:s11], $0x2800  }
.Ltmp1:
0x2c: {  	[sflag:s11] =	ssyncset.done $0x0;
	(pc) =	sbr.rel @p0 .LBB2_1-.Ltmp1, $4  }
0x2d: {  	[sflag:s11] =	ssyncadd.s32 $0xFFFFD800  }
0x2e: {  	[hbm4b:s12+s2] =	stream.linear.scatter [tilespmem:s9], [sflag:$0x2], $0x5000, $0x38;
	[tilespmem:$0x5100] =	vst v63  }
0x2f: {  	_ =	swait.ge [sflag:s3], $0x5000  }
0x30: {  	[sflag:s3] =	ssyncset.done $0x0  }
.LBB2_2:
0x31: {  	[sflag:s3] =	ssyncadd.s32 $0xFFFFB000  }
0x32: {  	_ =	sfence.sel $0x180000  }
0x33: {  	[bflag:$0x0] =	sbarrier.arrive $0xFFFF  }
0x34: {  	p0 =	sne.s32 s0, $0x0;
	_ =	strace $0x9000004A  }
0x35: {  	s0 =	sadd.s32 @!p0 $0x100000, s1;
	[bflag:$0x2] =	sbarrier.arrive $0xFFFF  }
0x36: {  	[sflag:s0] =	ssyncadd.tile.s32 @!p0 $0x1;
	_ =	shalt  }
.Lfunc_end2:
_tile_overlayer_lowered:
.L_overlay_start_2:
0x37: {  	(tag) =	ssettag $0x2  }
0x38: {  	s0 =	rddreg [dreg:$0x0];
	s2 =	stileid.u32  }
0x39: {  	s1 =	rddreg [dreg:$0x1];
	p0 =	sne.s32 s2, $0x0  }
0x3a: {  	s3 =	rddreg [dreg:$0x2];
	[bflag:$0x3] =	sbarrier.arrive $0xFFFF;
	s2 =	simm.s32 @!p0 $0x1C02  }
0x3b: {  	[timem:s3], [sflag:s2] =	dma.local @!p0 [hbm:s0], s1  }
0x3c: {  	s0 =	simm.s32 @!p0 $0x2  }
0x3d: {  	_ =	swait.ge @!p0 [sflag:s0], s1  }
0x3e: {  	s1 =	ssub.s32 @!p0 $0x0, s1;
	[sflag:s0] =	ssyncset.done @!p0 $0x0  }
0x3f: {  	[sflag:s0] =	ssyncadd.s32 @!p0 s1  }
0x40: {  	[bflag:$0x3] =	sbarrier.arrive $0xFFFF  }
0x41: {  	_ =	shalt  }

</sc_bundles>
